<compile_context>
chip_gen: v7x
topology: tpu7x:2x2x1
jax: 0.10.2.dev20260603
libtpu: 0.0.44.dev20260713+nightly
codegen_flags: <defaults>
</compile_context>

<pallas_src>
import functools

import jax
import jax.numpy as jnp
from jax import lax
from jax.experimental import pallas as pl
from jax.experimental.pallas import tpu as pltpu
from jax.experimental.pallas import tpu_sc as plsc

_CHUNK = 128


@functools.cache
def _build_gather(V, D, B, base):
    info = plsc.get_sparse_core_info()
    NC, NS = info.num_cores, info.num_subcores
    NW = NC * NS
    b_per_w = B // NW
    assert B % (NW * _CHUNK) == 0
    n_chunks = b_per_w // _CHUNK
    n_streams = 2 * n_chunks
    NBUF = 4
    LAG = 2

    mesh = plsc.VectorSubcoreMesh(core_axis_name="c", subcore_axis_name="s")

    @functools.partial(
        pl.kernel,
        mesh=mesh,
        out_type=(
            jax.ShapeDtypeStruct((B, D), jnp.float32),
            jax.ShapeDtypeStruct((B, D), jnp.float32),
        ),
        scratch_types=[
            pltpu.VMEM((n_streams * _CHUNK,), jnp.int32),
            pltpu.VMEM((NBUF, _CHUNK, D), jnp.float32),
            [pltpu.SemaphoreType.DMA] * NBUF,
            [pltpu.SemaphoreType.DMA] * NBUF,
            pltpu.SemaphoreType.DMA,
            pltpu.SemaphoreType.DMA,
        ],
    )
    def gather(
        cidx, didx, ctab, dtab, outc, outd, idx_v, rows_v, sems, osems, ic, idm
    ):
        wid = lax.axis_index("s") * NC + lax.axis_index("c")
        icp = pltpu.async_copy(
            cidx.at[pl.ds(base + wid * b_per_w, b_per_w)],
            idx_v.at[pl.ds(0, b_per_w)],
            ic,
        )
        dcp = pltpu.async_copy(
            didx.at[pl.ds(base + wid * b_per_w, b_per_w)],
            idx_v.at[pl.ds(b_per_w, b_per_w)],
            idm,
        )
        icp.wait()

        def out_slice(g):
            t, j = g // n_chunks, g % n_chunks
            out = (outc, outd)[t]
            row0 = wid * b_per_w + j * _CHUNK
            return out.at[pl.ds(row0, _CHUNK)]

        def start_gather(g):
            tab = (ctab, dtab)[g // n_chunks]
            return pltpu.async_copy(
                tab.at[idx_v.at[pl.ds(g * _CHUNK, _CHUNK)]],
                rows_v.at[g % NBUF],
                sems[g % NBUF],
            )

        def start_out(g):
            return pltpu.async_copy(rows_v.at[g % NBUF], out_slice(g), osems[g % NBUF])

        cps, ocps = {}, {}
        for g in range(n_streams):
            if g == n_chunks:
                dcp.wait()
            if g >= NBUF:
                ocps[g - NBUF].wait()
            cps[g] = start_gather(g)
            if g >= LAG:
                cps[g - LAG].wait()
                ocps[g - LAG] = start_out(g - LAG)
        for g in range(n_streams - LAG, n_streams):
            cps[g].wait()
            ocps[g] = start_out(g)
        for g in range(max(0, n_streams - NBUF), n_streams):
            ocps[g].wait()

    return gather


def _mlp(zc, zd, W1, b1, W2, b2):
    B, D = zc.shape
    BLK = 8192

    def body(zc_ref, zd_ref, w1_ref, b1_ref, w2_ref, b2_ref, o_ref):
        h = jnp.dot(
            zc_ref[...], w1_ref[0:D, :], preferred_element_type=jnp.float32
        )
        h = h + jnp.dot(
            zd_ref[...], w1_ref[D : 2 * D, :], preferred_element_type=jnp.float32
        )
        h = jnp.maximum(h + b1_ref[...], 0.0)
        o = jnp.dot(h, w2_ref[...], preferred_element_type=jnp.float32) + b2_ref[0]
        o_ref[...] = o.reshape(BLK // 128, 128)

    out = pl.pallas_call(
        body,
        grid=(B // BLK,),
        in_specs=[
            pl.BlockSpec((BLK, D), lambda i: (i, 0)),
            pl.BlockSpec((BLK, D), lambda i: (i, 0)),
            pl.BlockSpec((2 * D, D), lambda i: (0, 0)),
            pl.BlockSpec((D,), lambda i: (0,)),
            pl.BlockSpec((D, 1), lambda i: (0, 0)),
            pl.BlockSpec((1,), lambda i: (0,)),
        ],
        out_specs=pl.BlockSpec((BLK // 128, 128), lambda i: (i, 0)),
        out_shape=jax.ShapeDtypeStruct((B // 128, 128), jnp.float32),
        compiler_params=pltpu.CompilerParams(
            dimension_semantics=("parallel",)
        ),
    )(zc, zd, W1, b1, W2, b2)
    return out.reshape(B)


_NSPLIT = 1


def kernel(compound_idx, disease_idx, compound_table, disease_table, W1, b1, W2, b2):
    V, D = compound_table.shape
    B = compound_idx.shape[0]
    bs = B // _NSPLIT
    zs = []
    for k in range(_NSPLIT):
        gather = _build_gather(V, D, bs, k * bs)
        zs.append(gather(compound_idx, disease_idx, compound_table, disease_table))
    outs = [_mlp(zc, zd, W1, b1, W2, b2) for zc, zd in zs]
    return jnp.concatenate(outs)

# --- scband reference (transcript-rebuilt; emitter-appended) ---
"""Pipeline reference for scband-drug-repurposing-model-77627238908623 (READ-ONLY COPY).

The authoritative reference and input builder live on the scoring server;
editing this copy changes nothing except your own understanding.
"""

import jax, jax.numpy as jnp
import numpy as np

V = 100000
D = 128
B = 16384

def setup_inputs(seed: int = 0) -> dict:
    key = jax.random.key(seed)
    ks = jax.random.split(key, 8)
    return {
        "compound_idx": jax.random.randint(ks[0], (B,), 0, V),
        "disease_idx": jax.random.randint(ks[1], (B,), 0, V),
        "compound_table": jax.random.normal(ks[2], (V, D), dtype=jnp.float32) * 0.02,
        "disease_table": jax.random.normal(ks[3], (V, D), dtype=jnp.float32) * 0.02,
        "W1": jax.random.normal(ks[4], (2 * D, D), dtype=jnp.float32) * (1.0 / np.sqrt(2 * D)),
        "b1": jnp.zeros((D,), dtype=jnp.float32),
        "W2": jax.random.normal(ks[5], (D, 1), dtype=jnp.float32) * (1.0 / np.sqrt(D)),
        "b2": jnp.zeros((1,), dtype=jnp.float32),
    }

def reference(compound_idx, disease_idx, compound_table, disease_table, W1, b1, W2, b2):
    # Embedding lookups (gather)
    z_compound = jnp.take(compound_table, compound_idx, axis=0)
    z_disease = jnp.take(disease_table, disease_idx, axis=0)
    # LinkPredictor: concat -> Linear(2D->D) -> ReLU -> (Dropout eval=identity) -> Linear(D->1)
    z = jnp.concatenate([z_compound, z_disease], axis=-1)
    h = jax.nn.relu(z @ W1 + b1)
    out = h @ W2 + b2
    return out.squeeze(-1)

if __name__ == "__main__":
    import jax
    _d = setup_inputs()
    print(jax.jit(kernel)(*tuple(_d.values())))

</pallas_src>

<mosaic_0001>
#map = affine_map<(d0, d1) -> (0)>
#map1 = affine_map<(d0, d1) -> (0, 0)>
module attributes {stable_mosaic.version = 14 : i64} {
  func.func @gather(%arg0: i32, %arg1: i32, %arg2: memref<16384xi32, #tpu.memory_space<hbm>>, %arg3: memref<16384xi32, #tpu.memory_space<hbm>>, %arg4: memref<100000x128xf32, #tpu.memory_space<hbm>>, %arg5: memref<100000x128xf32, #tpu.memory_space<hbm>>, %arg6: memref<16384x128xf32, #tpu.memory_space<hbm>>, %arg7: memref<16384x128xf32, #tpu.memory_space<hbm>>, %arg8: memref<1024xi32, #tpu.memory_space<vmem>>, %arg9: memref<4x128x128xf32, #tpu.memory_space<vmem>>, %arg10: memref<!tpu.dma_semaphore, #tpu.memory_space<semaphore_mem>>, %arg11: memref<!tpu.dma_semaphore, #tpu.memory_space<semaphore_mem>>, %arg12: memref<!tpu.dma_semaphore, #tpu.memory_space<semaphore_mem>>, %arg13: memref<!tpu.dma_semaphore, #tpu.memory_space<semaphore_mem>>, %arg14: memref<!tpu.dma_semaphore, #tpu.memory_space<semaphore_mem>>, %arg15: memref<!tpu.dma_semaphore, #tpu.memory_space<semaphore_mem>>, %arg16: memref<!tpu.dma_semaphore, #tpu.memory_space<semaphore_mem>>, %arg17: memref<!tpu.dma_semaphore, #tpu.memory_space<semaphore_mem>>, %arg18: memref<!tpu.dma_semaphore, #tpu.memory_space<semaphore_mem>>, %arg19: memref<!tpu.dma_semaphore, #tpu.memory_space<semaphore_mem>>) attributes {dimension_semantics = [#tpu.dimension_semantics<core_parallel>, #tpu.dimension_semantics<subcore_parallel>], iteration_bounds = array<i64: 2, 16>, scalar_prefetch = 0 : i64, scratch_operands = 12 : i64, tpu.core_type = #tpu.core_type<sc_vector_subcore>, window_params = [{transform_indices = #map}, {transform_indices = #map}, {transform_indices = #map1}, {transform_indices = #map1}, {transform_indices = #map1}, {transform_indices = #map1}]} {
    %mul3A = arith.constant 2 : i32
    %mul3A_0 = arith.muli %arg1, %mul3A : i32
    %add3A = arith.addi %mul3A_0, %arg0 : i32
    %mul3A_1 = arith.constant 512 : i32
    %mul3A_2 = arith.muli %add3A, %mul3A_1 : i32
    %add3A_3 = arith.constant 0 : i32
    %add3A_4 = arith.addi %add3A_3, %mul3A_2 : i32
    %dma_start3A = arith.constant 0 : i32
    %dma_start3A_5 = tpu.memref_slice %arg8[%dma_start3A] : memref<1024xi32, #tpu.memory_space<vmem>> -> memref<512xi32, #tpu.memory_space<vmem>>
    %dma_start3A_6 = tpu.memref_slice %arg2[%add3A_4] : memref<16384xi32, #tpu.memory_space<hbm>> -> memref<512xi32, #tpu.memory_space<hbm>>
    %dma_start3A_7 = arith.constant 0 : i32
    %dma_start3A_8 = tpu.memref_slice %arg8[%dma_start3A_7] : memref<1024xi32, #tpu.memory_space<vmem>> -> memref<512xi32, #tpu.memory_space<vmem>>
    %dma_start3A_9 = tpu.memref_slice %arg2[%add3A_4] : memref<16384xi32, #tpu.memory_space<hbm>> -> memref<512xi32, #tpu.memory_space<hbm>>
    tpu.enqueue_dma source(%dma_start3A_9 : memref<512xi32, #tpu.memory_space<hbm>>) target(%dma_start3A_8 : memref<512xi32, #tpu.memory_space<vmem>>) target_semaphore(%arg18 : memref<!tpu.dma_semaphore, #tpu.memory_space<semaphore_mem>>)
    %mul3A_10 = arith.constant 512 : i32
    %mul3A_11 = arith.muli %add3A, %mul3A_10 : i32
    %add3A_12 = arith.constant 0 : i32
    %add3A_13 = arith.addi %add3A_12, %mul3A_11 : i32
    %dma_start3A_14 = arith.constant 512 : i32
    %dma_start3A_15 = tpu.memref_slice %arg8[%dma_start3A_14] : memref<1024xi32, #tpu.memory_space<vmem>> -> memref<512xi32, #tpu.memory_space<vmem>>
    %dma_start3A_16 = tpu.memref_slice %arg3[%add3A_13] : memref<16384xi32, #tpu.memory_space<hbm>> -> memref<512xi32, #tpu.memory_space<hbm>>
    %dma_start3A_17 = arith.constant 512 : i32
    %dma_start3A_18 = tpu.memref_slice %arg8[%dma_start3A_17] : memref<1024xi32, #tpu.memory_space<vmem>> -> memref<512xi32, #tpu.memory_space<vmem>>
    %dma_start3A_19 = tpu.memref_slice %arg3[%add3A_13] : memref<16384xi32, #tpu.memory_space<hbm>> -> memref<512xi32, #tpu.memory_space<hbm>>
    tpu.enqueue_dma source(%dma_start3A_19 : memref<512xi32, #tpu.memory_space<hbm>>) target(%dma_start3A_18 : memref<512xi32, #tpu.memory_space<vmem>>) target_semaphore(%arg19 : memref<!tpu.dma_semaphore, #tpu.memory_space<semaphore_mem>>)
    %dma_wait3A = arith.constant 0 : i32
    %dma_wait3A_20 = tpu.memref_slice %arg8[%dma_wait3A] : memref<1024xi32, #tpu.memory_space<vmem>> -> memref<512xi32, #tpu.memory_space<vmem>>
    %dma_wait3A_21 = tpu.memref_slice %arg2[%add3A_4] : memref<16384xi32, #tpu.memory_space<hbm>> -> memref<512xi32, #tpu.memory_space<hbm>>
    %dma_wait3A_22 = arith.constant 0 : i32
    %dma_wait3A_23 = tpu.memref_slice %arg8[%dma_wait3A_22] : memref<1024xi32, #tpu.memory_space<vmem>> -> memref<512xi32, #tpu.memory_space<vmem>>
    %dma_wait3A_24 = tpu.memref_slice %arg2[%add3A_4] : memref<16384xi32, #tpu.memory_space<hbm>> -> memref<512xi32, #tpu.memory_space<hbm>>
    tpu.wait_dma2 semaphore(%arg18 : memref<!tpu.dma_semaphore, #tpu.memory_space<semaphore_mem>>) src(%dma_wait3A_24 : memref<512xi32, #tpu.memory_space<hbm>>) dst(%dma_wait3A_23 : memref<512xi32, #tpu.memory_space<vmem>>)
    %dma_start3A_25 = arith.constant 0 : i32
    %dma_start3A_26 = arith.constant 0 : i32
    %dma_start3A_27 = arith.constant 0 : i32
    %dma_start3A_28 = tpu.memref_slice %arg9[%dma_start3A_25, %dma_start3A_26, %dma_start3A_27] : memref<4x128x128xf32, #tpu.memory_space<vmem>> -> memref<1x128x128xf32, #tpu.memory_space<vmem>>
    %dma_start3A_29 = tpu.memref_squeeze %dma_start3A_28 : memref<1x128x128xf32, #tpu.memory_space<vmem>> -> memref<128x128xf32, #tpu.memory_space<vmem>>
    %dma_start3A_30 = arith.constant 0 : i32
    %dma_start3A_31 = tpu.memref_slice %arg8[%dma_start3A_30] : memref<1024xi32, #tpu.memory_space<vmem>> -> memref<128xi32, #tpu.memory_space<vmem>>
    %dma_start3A_32 = arith.constant 0 : i32
    %dma_start3A_33 = arith.constant 0 : i32
    %dma_start3A_34 = tpu.memref_slice %arg4[%dma_start3A_32, %dma_start3A_33] : memref<100000x128xf32, #tpu.memory_space<hbm>> -> memref<100000x128xf32, #tpu.memory_space<hbm>>
    tpu.enqueue_indirect_dma source(%dma_start3A_34 : memref<100000x128xf32, #tpu.memory_space<hbm>>) target(%dma_start3A_29 : memref<128x128xf32, #tpu.memory_space<vmem>>) offsets(%dma_start3A_31 : memref<128xi32, #tpu.memory_space<vmem>>) semaphore(%arg10 : memref<!tpu.dma_semaphore, #tpu.memory_space<semaphore_mem>>)
    %dma_start3A_35 = arith.constant 1 : i32
    %dma_start3A_36 = arith.constant 0 : i32
    %dma_start3A_37 = arith.constant 0 : i32
    %dma_start3A_38 = tpu.memref_slice %arg9[%dma_start3A_35, %dma_start3A_36, %dma_start3A_37] : memref<4x128x128xf32, #tpu.memory_space<vmem>> -> memref<1x128x128xf32, #tpu.memory_space<vmem>>
    %dma_start3A_39 = tpu.memref_squeeze %dma_start3A_38 : memref<1x128x128xf32, #tpu.memory_space<vmem>> -> memref<128x128xf32, #tpu.memory_space<vmem>>
    %dma_start3A_40 = arith.constant 128 : i32
    %dma_start3A_41 = tpu.memref_slice %arg8[%dma_start3A_40] : memref<1024xi32, #tpu.memory_space<vmem>> -> memref<128xi32, #tpu.memory_space<vmem>>
    %dma_start3A_42 = arith.constant 0 : i32
    %dma_start3A_43 = arith.constant 0 : i32
    %dma_start3A_44 = tpu.memref_slice %arg4[%dma_start3A_42, %dma_start3A_43] : memref<100000x128xf32, #tpu.memory_space<hbm>> -> memref<100000x128xf32, #tpu.memory_space<hbm>>
    tpu.enqueue_indirect_dma source(%dma_start3A_44 : memref<100000x128xf32, #tpu.memory_space<hbm>>) target(%dma_start3A_39 : memref<128x128xf32, #tpu.memory_space<vmem>>) offsets(%dma_start3A_41 : memref<128xi32, #tpu.memory_space<vmem>>) semaphore(%arg11 : memref<!tpu.dma_semaphore, #tpu.memory_space<semaphore_mem>>)
    %dma_start3A_45 = arith.constant 2 : i32
    %dma_start3A_46 = arith.constant 0 : i32
    %dma_start3A_47 = arith.constant 0 : i32
    %dma_start3A_48 = tpu.memref_slice %arg9[%dma_start3A_45, %dma_start3A_46, %dma_start3A_47] : memref<4x128x128xf32, #tpu.memory_space<vmem>> -> memref<1x128x128xf32, #tpu.memory_space<vmem>>
    %dma_start3A_49 = tpu.memref_squeeze %dma_start3A_48 : memref<1x128x128xf32, #tpu.memory_space<vmem>> -> memref<128x128xf32, #tpu.memory_space<vmem>>
    %dma_start3A_50 = arith.constant 256 : i32
    %dma_start3A_51 = tpu.memref_slice %arg8[%dma_start3A_50] : memref<1024xi32, #tpu.memory_space<vmem>> -> memref<128xi32, #tpu.memory_space<vmem>>
    %dma_start3A_52 = arith.constant 0 : i32
    %dma_start3A_53 = arith.constant 0 : i32
    %dma_start3A_54 = tpu.memref_slice %arg4[%dma_start3A_52, %dma_start3A_53] : memref<100000x128xf32, #tpu.memory_space<hbm>> -> memref<100000x128xf32, #tpu.memory_space<hbm>>
    tpu.enqueue_indirect_dma source(%dma_start3A_54 : memref<100000x128xf32, #tpu.memory_space<hbm>>) target(%dma_start3A_49 : memref<128x128xf32, #tpu.memory_space<vmem>>) offsets(%dma_start3A_51 : memref<128xi32, #tpu.memory_space<vmem>>) semaphore(%arg12 : memref<!tpu.dma_semaphore, #tpu.memory_space<semaphore_mem>>)
    %dma_wait3A_55 = arith.constant 0 : i32
    %dma_wait3A_56 = arith.constant 0 : i32
    %dma_wait3A_57 = arith.constant 0 : i32
    %dma_wait3A_58 = tpu.memref_slice %arg9[%dma_wait3A_55, %dma_wait3A_56, %dma_wait3A_57] : memref<4x128x128xf32, #tpu.memory_space<vmem>> -> memref<1x128x128xf32, #tpu.memory_space<vmem>>
    %dma_wait3A_59 = tpu.memref_squeeze %dma_wait3A_58 : memref<1x128x128xf32, #tpu.memory_space<vmem>> -> memref<128x128xf32, #tpu.memory_space<vmem>>
    %dma_wait3A_60 = arith.constant 0 : i32
    %dma_wait3A_61 = tpu.memref_slice %arg8[%dma_wait3A_60] : memref<1024xi32, #tpu.memory_space<vmem>> -> memref<128xi32, #tpu.memory_space<vmem>>
    %dma_wait3A_62 = arith.constant 0 : i32
    %dma_wait3A_63 = arith.constant 0 : i32
    %dma_wait3A_64 = tpu.memref_slice %arg4[%dma_wait3A_62, %dma_wait3A_63] : memref<100000x128xf32, #tpu.memory_space<hbm>> -> memref<100000x128xf32, #tpu.memory_space<hbm>>
    tpu.wait_indirect_dma semaphore(%arg10 : memref<!tpu.dma_semaphore, #tpu.memory_space<semaphore_mem>>) src(%dma_wait3A_64 : memref<100000x128xf32, #tpu.memory_space<hbm>>) dst(%dma_wait3A_59 : memref<128x128xf32, #tpu.memory_space<vmem>>)
    %mul3A_65 = arith.constant 512 : i32
    %mul3A_66 = arith.muli %add3A, %mul3A_65 : i32
    %add3A_67 = arith.constant 0 : i32
    %add3A_68 = arith.addi %mul3A_66, %add3A_67 : i32
    %dma_start3A_69 = arith.constant 0 : i32
    %dma_start3A_70 = arith.constant 0 : i32
    %dma_start3A_71 = arith.constant 0 : i32
    %dma_start3A_72 = tpu.memref_slice %arg9[%dma_start3A_69, %dma_start3A_70, %dma_start3A_71] : memref<4x128x128xf32, #tpu.memory_space<vmem>> -> memref<1x128x128xf32, #tpu.memory_space<vmem>>
    %dma_start3A_73 = tpu.memref_squeeze %dma_start3A_72 : memref<1x128x128xf32, #tpu.memory_space<vmem>> -> memref<128x128xf32, #tpu.memory_space<vmem>>
    %dma_start3A_74 = arith.constant 0 : i32
    %dma_start3A_75 = tpu.memref_slice %arg6[%add3A_68, %dma_start3A_74] : memref<16384x128xf32, #tpu.memory_space<hbm>> -> memref<128x128xf32, #tpu.memory_space<hbm>>
    %dma_start3A_76 = arith.constant 0 : i32
    %dma_start3A_77 = tpu.memref_slice %arg6[%add3A_68, %dma_start3A_76] : memref<16384x128xf32, #tpu.memory_space<hbm>> -> memref<128x128xf32, #tpu.memory_space<hbm>>
    %dma_start3A_78 = arith.constant 0 : i32
    %dma_start3A_79 = arith.constant 0 : i32
    %dma_start3A_80 = tpu.memref_slice %arg9[%dma_start3A_69, %dma_start3A_78, %dma_start3A_79] : memref<4x128x128xf32, #tpu.memory_space<vmem>> -> memref<1x128x128xf32, #tpu.memory_space<vmem>>
    %dma_start3A_81 = tpu.memref_squeeze %dma_start3A_80 : memref<1x128x128xf32, #tpu.memory_space<vmem>> -> memref<128x128xf32, #tpu.memory_space<vmem>>
    tpu.enqueue_dma source(%dma_start3A_81 : memref<128x128xf32, #tpu.memory_space<vmem>>) target(%dma_start3A_77 : memref<128x128xf32, #tpu.memory_space<hbm>>) target_semaphore(%arg14 : memref<!tpu.dma_semaphore, #tpu.memory_space<semaphore_mem>>)
    %dma_start3A_82 = arith.constant 3 : i32
    %dma_start3A_83 = arith.constant 0 : i32
    %dma_start3A_84 = arith.constant 0 : i32
    %dma_start3A_85 = tpu.memref_slice %arg9[%dma_start3A_82, %dma_start3A_83, %dma_start3A_84] : memref<4x128x128xf32, #tpu.memory_space<vmem>> -> memref<1x128x128xf32, #tpu.memory_space<vmem>>
    %dma_start3A_86 = tpu.memref_squeeze %dma_start3A_85 : memref<1x128x128xf32, #tpu.memory_space<vmem>> -> memref<128x128xf32, #tpu.memory_space<vmem>>
    %dma_start3A_87 = arith.constant 384 : i32
    %dma_start3A_88 = tpu.memref_slice %arg8[%dma_start3A_87] : memref<1024xi32, #tpu.memory_space<vmem>> -> memref<128xi32, #tpu.memory_space<vmem>>
    %dma_start3A_89 = arith.constant 0 : i32
    %dma_start3A_90 = arith.constant 0 : i32
    %dma_start3A_91 = tpu.memref_slice %arg4[%dma_start3A_89, %dma_start3A_90] : memref<100000x128xf32, #tpu.memory_space<hbm>> -> memref<100000x128xf32, #tpu.memory_space<hbm>>
    tpu.enqueue_indirect_dma source(%dma_start3A_91 : memref<100000x128xf32, #tpu.memory_space<hbm>>) target(%dma_start3A_86 : memref<128x128xf32, #tpu.memory_space<vmem>>) offsets(%dma_start3A_88 : memref<128xi32, #tpu.memory_space<vmem>>) semaphore(%arg13 : memref<!tpu.dma_semaphore, #tpu.memory_space<semaphore_mem>>)
    %dma_wait3A_92 = arith.constant 1 : i32
    %dma_wait3A_93 = arith.constant 0 : i32
    %dma_wait3A_94 = arith.constant 0 : i32
    %dma_wait3A_95 = tpu.memref_slice %arg9[%dma_wait3A_92, %dma_wait3A_93, %dma_wait3A_94] : memref<4x128x128xf32, #tpu.memory_space<vmem>> -> memref<1x128x128xf32, #tpu.memory_space<vmem>>
    %dma_wait3A_96 = tpu.memref_squeeze %dma_wait3A_95 : memref<1x128x128xf32, #tpu.memory_space<vmem>> -> memref<128x128xf32, #tpu.memory_space<vmem>>
    %dma_wait3A_97 = arith.constant 128 : i32
    %dma_wait3A_98 = tpu.memref_slice %arg8[%dma_wait3A_97] : memref<1024xi32, #tpu.memory_space<vmem>> -> memref<128xi32, #tpu.memory_space<vmem>>
    %dma_wait3A_99 = arith.constant 0 : i32
    %dma_wait3A_100 = arith.constant 0 : i32
    %dma_wait3A_101 = tpu.memref_slice %arg4[%dma_wait3A_99, %dma_wait3A_100] : memref<100000x128xf32, #tpu.memory_space<hbm>> -> memref<100000x128xf32, #tpu.memory_space<hbm>>
    tpu.wait_indirect_dma semaphore(%arg11 : memref<!tpu.dma_semaphore, #tpu.memory_space<semaphore_mem>>) src(%dma_wait3A_101 : memref<100000x128xf32, #tpu.memory_space<hbm>>) dst(%dma_wait3A_96 : memref<128x128xf32, #tpu.memory_space<vmem>>)
    %mul3A_102 = arith.constant 512 : i32
    %mul3A_103 = arith.muli %add3A, %mul3A_102 : i32
    %add3A_104 = arith.constant 128 : i32
    %add3A_105 = arith.addi %mul3A_103, %add3A_104 : i32
    %dma_start3A_106 = arith.constant 1 : i32
    %dma_start3A_107 = arith.constant 0 : i32
    %dma_start3A_108 = arith.constant 0 : i32
    %dma_start3A_109 = tpu.memref_slice %arg9[%dma_start3A_106, %dma_start3A_107, %dma_start3A_108] : memref<4x128x128xf32, #tpu.memory_space<vmem>> -> memref<1x128x128xf32, #tpu.memory_space<vmem>>
    %dma_start3A_110 = tpu.memref_squeeze %dma_start3A_109 : memref<1x128x128xf32, #tpu.memory_space<vmem>> -> memref<128x128xf32, #tpu.memory_space<vmem>>
    %dma_start3A_111 = arith.constant 0 : i32
    %dma_start3A_112 = tpu.memref_slice %arg6[%add3A_105, %dma_start3A_111] : memref<16384x128xf32, #tpu.memory_space<hbm>> -> memref<128x128xf32, #tpu.memory_space<hbm>>
    %dma_start3A_113 = arith.constant 0 : i32
    %dma_start3A_114 = tpu.memref_slice %arg6[%add3A_105, %dma_start3A_113] : memref<16384x128xf32, #tpu.memory_space<hbm>> -> memref<128x128xf32, #tpu.memory_space<hbm>>
    %dma_start3A_115 = arith.constant 0 : i32
    %dma_start3A_116 = arith.constant 0 : i32
    %dma_start3A_117 = tpu.memref_slice %arg9[%dma_start3A_106, %dma_start3A_115, %dma_start3A_116] : memref<4x128x128xf32, #tpu.memory_space<vmem>> -> memref<1x128x128xf32, #tpu.memory_space<vmem>>
    %dma_start3A_118 = tpu.memref_squeeze %dma_start3A_117 : memref<1x128x128xf32, #tpu.memory_space<vmem>> -> memref<128x128xf32, #tpu.memory_space<vmem>>
    tpu.enqueue_dma source(%dma_start3A_118 : memref<128x128xf32, #tpu.memory_space<vmem>>) target(%dma_start3A_114 : memref<128x128xf32, #tpu.memory_space<hbm>>) target_semaphore(%arg15 : memref<!tpu.dma_semaphore, #tpu.memory_space<semaphore_mem>>)
    %dma_wait3A_119 = arith.constant 512 : i32
    %dma_wait3A_120 = tpu.memref_slice %arg8[%dma_wait3A_119] : memref<1024xi32, #tpu.memory_space<vmem>> -> memref<512xi32, #tpu.memory_space<vmem>>
    %dma_wait3A_121 = tpu.memref_slice %arg3[%add3A_13] : memref<16384xi32, #tpu.memory_space<hbm>> -> memref<512xi32, #tpu.memory_space<hbm>>
    %dma_wait3A_122 = arith.constant 512 : i32
    %dma_wait3A_123 = tpu.memref_slice %arg8[%dma_wait3A_122] : memref<1024xi32, #tpu.memory_space<vmem>> -> memref<512xi32, #tpu.memory_space<vmem>>
    %dma_wait3A_124 = tpu.memref_slice %arg3[%add3A_13] : memref<16384xi32, #tpu.memory_space<hbm>> -> memref<512xi32, #tpu.memory_space<hbm>>
    tpu.wait_dma2 semaphore(%arg19 : memref<!tpu.dma_semaphore, #tpu.memory_space<semaphore_mem>>) src(%dma_wait3A_124 : memref<512xi32, #tpu.memory_space<hbm>>) dst(%dma_wait3A_123 : memref<512xi32, #tpu.memory_space<vmem>>)
    %dma_wait3A_125 = arith.constant 0 : i32
    %dma_wait3A_126 = arith.constant 0 : i32
    %dma_wait3A_127 = arith.constant 0 : i32
    %dma_wait3A_128 = tpu.memref_slice %arg9[%dma_wait3A_125, %dma_wait3A_126, %dma_wait3A_127] : memref<4x128x128xf32, #tpu.memory_space<vmem>> -> memref<1x128x128xf32, #tpu.memory_space<vmem>>
    %dma_wait3A_129 = tpu.memref_squeeze %dma_wait3A_128 : memref<1x128x128xf32, #tpu.memory_space<vmem>> -> memref<128x128xf32, #tpu.memory_space<vmem>>
    %dma_wait3A_130 = arith.constant 0 : i32
    %dma_wait3A_131 = tpu.memref_slice %arg6[%add3A_68, %dma_wait3A_130] : memref<16384x128xf32, #tpu.memory_space<hbm>> -> memref<128x128xf32, #tpu.memory_space<hbm>>
    %dma_wait3A_132 = arith.constant 0 : i32
    %dma_wait3A_133 = tpu.memref_slice %arg6[%add3A_68, %dma_wait3A_132] : memref<16384x128xf32, #tpu.memory_space<hbm>> -> memref<128x128xf32, #tpu.memory_space<hbm>>
    %dma_wait3A_134 = arith.constant 0 : i32
    %dma_wait3A_135 = arith.constant 0 : i32
    %dma_wait3A_136 = tpu.memref_slice %arg9[%dma_wait3A_125, %dma_wait3A_134, %dma_wait3A_135] : memref<4x128x128xf32, #tpu.memory_space<vmem>> -> memref<1x128x128xf32, #tpu.memory_space<vmem>>
    %dma_wait3A_137 = tpu.memref_squeeze %dma_wait3A_136 : memref<1x128x128xf32, #tpu.memory_space<vmem>> -> memref<128x128xf32, #tpu.memory_space<vmem>>
    tpu.wait_dma2 semaphore(%arg14 : memref<!tpu.dma_semaphore, #tpu.memory_space<semaphore_mem>>) src(%dma_wait3A_137 : memref<128x128xf32, #tpu.memory_space<vmem>>) dst(%dma_wait3A_133 : memref<128x128xf32, #tpu.memory_space<hbm>>)
    %dma_start3A_138 = arith.constant 0 : i32
    %dma_start3A_139 = arith.constant 0 : i32
    %dma_start3A_140 = arith.constant 0 : i32
    %dma_start3A_141 = tpu.memref_slice %arg9[%dma_start3A_138, %dma_start3A_139, %dma_start3A_140] : memref<4x128x128xf32, #tpu.memory_space<vmem>> -> memref<1x128x128xf32, #tpu.memory_space<vmem>>
    %dma_start3A_142 = tpu.memref_squeeze %dma_start3A_141 : memref<1x128x128xf32, #tpu.memory_space<vmem>> -> memref<128x128xf32, #tpu.memory_space<vmem>>
    %dma_start3A_143 = arith.constant 512 : i32
    %dma_start3A_144 = tpu.memref_slice %arg8[%dma_start3A_143] : memref<1024xi32, #tpu.memory_space<vmem>> -> memref<128xi32, #tpu.memory_space<vmem>>
    %dma_start3A_145 = arith.constant 0 : i32
    %dma_start3A_146 = arith.constant 0 : i32
    %dma_start3A_147 = tpu.memref_slice %arg5[%dma_start3A_145, %dma_start3A_146] : memref<100000x128xf32, #tpu.memory_space<hbm>> -> memref<100000x128xf32, #tpu.memory_space<hbm>>
    tpu.enqueue_indirect_dma source(%dma_start3A_147 : memref<100000x128xf32, #tpu.memory_space<hbm>>) target(%dma_start3A_142 : memref<128x128xf32, #tpu.memory_space<vmem>>) offsets(%dma_start3A_144 : memref<128xi32, #tpu.memory_space<vmem>>) semaphore(%arg10 : memref<!tpu.dma_semaphore, #tpu.memory_space<semaphore_mem>>)
    %dma_wait3A_148 = arith.constant 2 : i32
    %dma_wait3A_149 = arith.constant 0 : i32
    %dma_wait3A_150 = arith.constant 0 : i32
    %dma_wait3A_151 = tpu.memref_slice %arg9[%dma_wait3A_148, %dma_wait3A_149, %dma_wait3A_150] : memref<4x128x128xf32, #tpu.memory_space<vmem>> -> memref<1x128x128xf32, #tpu.memory_space<vmem>>
    %dma_wait3A_152 = tpu.memref_squeeze %dma_wait3A_151 : memref<1x128x128xf32, #tpu.memory_space<vmem>> -> memref<128x128xf32, #tpu.memory_space<vmem>>
    %dma_wait3A_153 = arith.constant 256 : i32
    %dma_wait3A_154 = tpu.memref_slice %arg8[%dma_wait3A_153] : memref<1024xi32, #tpu.memory_space<vmem>> -> memref<128xi32, #tpu.memory_space<vmem>>
    %dma_wait3A_155 = arith.constant 0 : i32
    %dma_wait3A_156 = arith.constant 0 : i32
    %dma_wait3A_157 = tpu.memref_slice %arg4[%dma_wait3A_155, %dma_wait3A_156] : memref<100000x128xf32, #tpu.memory_space<hbm>> -> memref<100000x128xf32, #tpu.memory_space<hbm>>
    tpu.wait_indirect_dma semaphore(%arg12 : memref<!tpu.dma_semaphore, #tpu.memory_space<semaphore_mem>>) src(%dma_wait3A_157 : memref<100000x128xf32, #tpu.memory_space<hbm>>) dst(%dma_wait3A_152 : memref<128x128xf32, #tpu.memory_space<vmem>>)
    %mul3A_158 = arith.constant 512 : i32
    %mul3A_159 = arith.muli %add3A, %mul3A_158 : i32
    %add3A_160 = arith.constant 256 : i32
    %add3A_161 = arith.addi %mul3A_159, %add3A_160 : i32
    %dma_start3A_162 = arith.constant 2 : i32
    %dma_start3A_163 = arith.constant 0 : i32
    %dma_start3A_164 = arith.constant 0 : i32
    %dma_start3A_165 = tpu.memref_slice %arg9[%dma_start3A_162, %dma_start3A_163, %dma_start3A_164] : memref<4x128x128xf32, #tpu.memory_space<vmem>> -> memref<1x128x128xf32, #tpu.memory_space<vmem>>
    %dma_start3A_166 = tpu.memref_squeeze %dma_start3A_165 : memref<1x128x128xf32, #tpu.memory_space<vmem>> -> memref<128x128xf32, #tpu.memory_space<vmem>>
    %dma_start3A_167 = arith.constant 0 : i32
    %dma_start3A_168 = tpu.memref_slice %arg6[%add3A_161, %dma_start3A_167] : memref<16384x128xf32, #tpu.memory_space<hbm>> -> memref<128x128xf32, #tpu.memory_space<hbm>>
    %dma_start3A_169 = arith.constant 0 : i32
    %dma_start3A_170 = tpu.memref_slice %arg6[%add3A_161, %dma_start3A_169] : memref<16384x128xf32, #tpu.memory_space<hbm>> -> memref<128x128xf32, #tpu.memory_space<hbm>>
    %dma_start3A_171 = arith.constant 0 : i32
    %dma_start3A_172 = arith.constant 0 : i32
    %dma_start3A_173 = tpu.memref_slice %arg9[%dma_start3A_162, %dma_start3A_171, %dma_start3A_172] : memref<4x128x128xf32, #tpu.memory_space<vmem>> -> memref<1x128x128xf32, #tpu.memory_space<vmem>>
    %dma_start3A_174 = tpu.memref_squeeze %dma_start3A_173 : memref<1x128x128xf32, #tpu.memory_space<vmem>> -> memref<128x128xf32, #tpu.memory_space<vmem>>
    tpu.enqueue_dma source(%dma_start3A_174 : memref<128x128xf32, #tpu.memory_space<vmem>>) target(%dma_start3A_170 : memref<128x128xf32, #tpu.memory_space<hbm>>) target_semaphore(%arg16 : memref<!tpu.dma_semaphore, #tpu.memory_space<semaphore_mem>>)
    %dma_wait3A_175 = arith.constant 1 : i32
    %dma_wait3A_176 = arith.constant 0 : i32
    %dma_wait3A_177 = arith.constant 0 : i32
    %dma_wait3A_178 = tpu.memref_slice %arg9[%dma_wait3A_175, %dma_wait3A_176, %dma_wait3A_177] : memref<4x128x128xf32, #tpu.memory_space<vmem>> -> memref<1x128x128xf32, #tpu.memory_space<vmem>>
    %dma_wait3A_179 = tpu.memref_squeeze %dma_wait3A_178 : memref<1x128x128xf32, #tpu.memory_space<vmem>> -> memref<128x128xf32, #tpu.memory_space<vmem>>
    %dma_wait3A_180 = arith.constant 0 : i32
    %dma_wait3A_181 = tpu.memref_slice %arg6[%add3A_105, %dma_wait3A_180] : memref<16384x128xf32, #tpu.memory_space<hbm>> -> memref<128x128xf32, #tpu.memory_space<hbm>>
    %dma_wait3A_182 = arith.constant 0 : i32
    %dma_wait3A_183 = tpu.memref_slice %arg6[%add3A_105, %dma_wait3A_182] : memref<16384x128xf32, #tpu.memory_space<hbm>> -> memref<128x128xf32, #tpu.memory_space<hbm>>
    %dma_wait3A_184 = arith.constant 0 : i32
    %dma_wait3A_185 = arith.constant 0 : i32
    %dma_wait3A_186 = tpu.memref_slice %arg9[%dma_wait3A_175, %dma_wait3A_184, %dma_wait3A_185] : memref<4x128x128xf32, #tpu.memory_space<vmem>> -> memref<1x128x128xf32, #tpu.memory_space<vmem>>
    %dma_wait3A_187 = tpu.memref_squeeze %dma_wait3A_186 : memref<1x128x128xf32, #tpu.memory_space<vmem>> -> memref<128x128xf32, #tpu.memory_space<vmem>>
    tpu.wait_dma2 semaphore(%arg15 : memref<!tpu.dma_semaphore, #tpu.memory_space<semaphore_mem>>) src(%dma_wait3A_187 : memref<128x128xf32, #tpu.memory_space<vmem>>) dst(%dma_wait3A_183 : memref<128x128xf32, #tpu.memory_space<hbm>>)
    %dma_start3A_188 = arith.constant 1 : i32
    %dma_start3A_189 = arith.constant 0 : i32
    %dma_start3A_190 = arith.constant 0 : i32
    %dma_start3A_191 = tpu.memref_slice %arg9[%dma_start3A_188, %dma_start3A_189, %dma_start3A_190] : memref<4x128x128xf32, #tpu.memory_space<vmem>> -> memref<1x128x128xf32, #tpu.memory_space<vmem>>
    %dma_start3A_192 = tpu.memref_squeeze %dma_start3A_191 : memref<1x128x128xf32, #tpu.memory_space<vmem>> -> memref<128x128xf32, #tpu.memory_space<vmem>>
    %dma_start3A_193 = arith.constant 640 : i32
    %dma_start3A_194 = tpu.memref_slice %arg8[%dma_start3A_193] : memref<1024xi32, #tpu.memory_space<vmem>> -> memref<128xi32, #tpu.memory_space<vmem>>
    %dma_start3A_195 = arith.constant 0 : i32
    %dma_start3A_196 = arith.constant 0 : i32
    %dma_start3A_197 = tpu.memref_slice %arg5[%dma_start3A_195, %dma_start3A_196] : memref<100000x128xf32, #tpu.memory_space<hbm>> -> memref<100000x128xf32, #tpu.memory_space<hbm>>
    tpu.enqueue_indirect_dma source(%dma_start3A_197 : memref<100000x128xf32, #tpu.memory_space<hbm>>) target(%dma_start3A_192 : memref<128x128xf32, #tpu.memory_space<vmem>>) offsets(%dma_start3A_194 : memref<128xi32, #tpu.memory_space<vmem>>) semaphore(%arg11 : memref<!tpu.dma_semaphore, #tpu.memory_space<semaphore_mem>>)
    %dma_wait3A_198 = arith.constant 3 : i32
    %dma_wait3A_199 = arith.constant 0 : i32
    %dma_wait3A_200 = arith.constant 0 : i32
    %dma_wait3A_201 = tpu.memref_slice %arg9[%dma_wait3A_198, %dma_wait3A_199, %dma_wait3A_200] : memref<4x128x128xf32, #tpu.memory_space<vmem>> -> memref<1x128x128xf32, #tpu.memory_space<vmem>>
    %dma_wait3A_202 = tpu.memref_squeeze %dma_wait3A_201 : memref<1x128x128xf32, #tpu.memory_space<vmem>> -> memref<128x128xf32, #tpu.memory_space<vmem>>
    %dma_wait3A_203 = arith.constant 384 : i32
    %dma_wait3A_204 = tpu.memref_slice %arg8[%dma_wait3A_203] : memref<1024xi32, #tpu.memory_space<vmem>> -> memref<128xi32, #tpu.memory_space<vmem>>
    %dma_wait3A_205 = arith.constant 0 : i32
    %dma_wait3A_206 = arith.constant 0 : i32
    %dma_wait3A_207 = tpu.memref_slice %arg4[%dma_wait3A_205, %dma_wait3A_206] : memref<100000x128xf32, #tpu.memory_space<hbm>> -> memref<100000x128xf32, #tpu.memory_space<hbm>>
    tpu.wait_indirect_dma semaphore(%arg13 : memref<!tpu.dma_semaphore, #tpu.memory_space<semaphore_mem>>) src(%dma_wait3A_207 : memref<100000x128xf32, #tpu.memory_space<hbm>>) dst(%dma_wait3A_202 : memref<128x128xf32, #tpu.memory_space<vmem>>)
    %mul3A_208 = arith.constant 512 : i32
    %mul3A_209 = arith.muli %add3A, %mul3A_208 : i32
    %add3A_210 = arith.constant 384 : i32
    %add3A_211 = arith.addi %mul3A_209, %add3A_210 : i32
    %dma_start3A_212 = arith.constant 3 : i32
    %dma_start3A_213 = arith.constant 0 : i32
    %dma_start3A_214 = arith.constant 0 : i32
    %dma_start3A_215 = tpu.memref_slice %arg9[%dma_start3A_212, %dma_start3A_213, %dma_start3A_214] : memref<4x128x128xf32, #tpu.memory_space<vmem>> -> memref<1x128x128xf32, #tpu.memory_space<vmem>>
    %dma_start3A_216 = tpu.memref_squeeze %dma_start3A_215 : memref<1x128x128xf32, #tpu.memory_space<vmem>> -> memref<128x128xf32, #tpu.memory_space<vmem>>
    %dma_start3A_217 = arith.constant 0 : i32
    %dma_start3A_218 = tpu.memref_slice %arg6[%add3A_211, %dma_start3A_217] : memref<16384x128xf32, #tpu.memory_space<hbm>> -> memref<128x128xf32, #tpu.memory_space<hbm>>
    %dma_start3A_219 = arith.constant 0 : i32
    %dma_start3A_220 = tpu.memref_slice %arg6[%add3A_211, %dma_start3A_219] : memref<16384x128xf32, #tpu.memory_space<hbm>> -> memref<128x128xf32, #tpu.memory_space<hbm>>
    %dma_start3A_221 = arith.constant 0 : i32
    %dma_start3A_222 = arith.constant 0 : i32
    %dma_start3A_223 = tpu.memref_slice %arg9[%dma_start3A_212, %dma_start3A_221, %dma_start3A_222] : memref<4x128x128xf32, #tpu.memory_space<vmem>> -> memref<1x128x128xf32, #tpu.memory_space<vmem>>
    %dma_start3A_224 = tpu.memref_squeeze %dma_start3A_223 : memref<1x128x128xf32, #tpu.memory_space<vmem>> -> memref<128x128xf32, #tpu.memory_space<vmem>>
    tpu.enqueue_dma source(%dma_start3A_224 : memref<128x128xf32, #tpu.memory_space<vmem>>) target(%dma_start3A_220 : memref<128x128xf32, #tpu.memory_space<hbm>>) target_semaphore(%arg17 : memref<!tpu.dma_semaphore, #tpu.memory_space<semaphore_mem>>)
    %dma_wait3A_225 = arith.constant 2 : i32
    %dma_wait3A_226 = arith.constant 0 : i32
    %dma_wait3A_227 = arith.constant 0 : i32
    %dma_wait3A_228 = tpu.memref_slice %arg9[%dma_wait3A_225, %dma_wait3A_226, %dma_wait3A_227] : memref<4x128x128xf32, #tpu.memory_space<vmem>> -> memref<1x128x128xf32, #tpu.memory_space<vmem>>
    %dma_wait3A_229 = tpu.memref_squeeze %dma_wait3A_228 : memref<1x128x128xf32, #tpu.memory_space<vmem>> -> memref<128x128xf32, #tpu.memory_space<vmem>>
    %dma_wait3A_230 = arith.constant 0 : i32
    %dma_wait3A_231 = tpu.memref_slice %arg6[%add3A_161, %dma_wait3A_230] : memref<16384x128xf32, #tpu.memory_space<hbm>> -> memref<128x128xf32, #tpu.memory_space<hbm>>
    %dma_wait3A_232 = arith.constant 0 : i32
    %dma_wait3A_233 = tpu.memref_slice %arg6[%add3A_161, %dma_wait3A_232] : memref<16384x128xf32, #tpu.memory_space<hbm>> -> memref<128x128xf32, #tpu.memory_space<hbm>>
    %dma_wait3A_234 = arith.constant 0 : i32
    %dma_wait3A_235 = arith.constant 0 : i32
    %dma_wait3A_236 = tpu.memref_slice %arg9[%dma_wait3A_225, %dma_wait3A_234, %dma_wait3A_235] : memref<4x128x128xf32, #tpu.memory_space<vmem>> -> memref<1x128x128xf32, #tpu.memory_space<vmem>>
    %dma_wait3A_237 = tpu.memref_squeeze %dma_wait3A_236 : memref<1x128x128xf32, #tpu.memory_space<vmem>> -> memref<128x128xf32, #tpu.memory_space<vmem>>
    tpu.wait_dma2 semaphore(%arg16 : memref<!tpu.dma_semaphore, #tpu.memory_space<semaphore_mem>>) src(%dma_wait3A_237 : memref<128x128xf32, #tpu.memory_space<vmem>>) dst(%dma_wait3A_233 : memref<128x128xf32, #tpu.memory_space<hbm>>)
    %dma_start3A_238 = arith.constant 2 : i32
    %dma_start3A_239 = arith.constant 0 : i32
    %dma_start3A_240 = arith.constant 0 : i32
    %dma_start3A_241 = tpu.memref_slice %arg9[%dma_start3A_238, %dma_start3A_239, %dma_start3A_240] : memref<4x128x128xf32, #tpu.memory_space<vmem>> -> memref<1x128x128xf32, #tpu.memory_space<vmem>>
    %dma_start3A_242 = tpu.memref_squeeze %dma_start3A_241 : memref<1x128x128xf32, #tpu.memory_space<vmem>> -> memref<128x128xf32, #tpu.memory_space<vmem>>
    %dma_start3A_243 = arith.constant 768 : i32
    %dma_start3A_244 = tpu.memref_slice %arg8[%dma_start3A_243] : memref<1024xi32, #tpu.memory_space<vmem>> -> memref<128xi32, #tpu.memory_space<vmem>>
    %dma_start3A_245 = arith.constant 0 : i32
    %dma_start3A_246 = arith.constant 0 : i32
    %dma_start3A_247 = tpu.memref_slice %arg5[%dma_start3A_245, %dma_start3A_246] : memref<100000x128xf32, #tpu.memory_space<hbm>> -> memref<100000x128xf32, #tpu.memory_space<hbm>>
    tpu.enqueue_indirect_dma source(%dma_start3A_247 : memref<100000x128xf32, #tpu.memory_space<hbm>>) target(%dma_start3A_242 : memref<128x128xf32, #tpu.memory_space<vmem>>) offsets(%dma_start3A_244 : memref<128xi32, #tpu.memory_space<vmem>>) semaphore(%arg12 : memref<!tpu.dma_semaphore, #tpu.memory_space<semaphore_mem>>)
    %dma_wait3A_248 = arith.constant 0 : i32
    %dma_wait3A_249 = arith.constant 0 : i32
    %dma_wait3A_250 = arith.constant 0 : i32
    %dma_wait3A_251 = tpu.memref_slice %arg9[%dma_wait3A_248, %dma_wait3A_249, %dma_wait3A_250] : memref<4x128x128xf32, #tpu.memory_space<vmem>> -> memref<1x128x128xf32, #tpu.memory_space<vmem>>
    %dma_wait3A_252 = tpu.memref_squeeze %dma_wait3A_251 : memref<1x128x128xf32, #tpu.memory_space<vmem>> -> memref<128x128xf32, #tpu.memory_space<vmem>>
    %dma_wait3A_253 = arith.constant 512 : i32
    %dma_wait3A_254 = tpu.memref_slice %arg8[%dma_wait3A_253] : memref<1024xi32, #tpu.memory_space<vmem>> -> memref<128xi32, #tpu.memory_space<vmem>>
    %dma_wait3A_255 = arith.constant 0 : i32
    %dma_wait3A_256 = arith.constant 0 : i32
    %dma_wait3A_257 = tpu.memref_slice %arg5[%dma_wait3A_255, %dma_wait3A_256] : memref<100000x128xf32, #tpu.memory_space<hbm>> -> memref<100000x128xf32, #tpu.memory_space<hbm>>
    tpu.wait_indirect_dma semaphore(%arg10 : memref<!tpu.dma_semaphore, #tpu.memory_space<semaphore_mem>>) src(%dma_wait3A_257 : memref<100000x128xf32, #tpu.memory_space<hbm>>) dst(%dma_wait3A_252 : memref<128x128xf32, #tpu.memory_space<vmem>>)
    %mul3A_258 = arith.constant 512 : i32
    %mul3A_259 = arith.muli %add3A, %mul3A_258 : i32
    %add3A_260 = arith.constant 0 : i32
    %add3A_261 = arith.addi %mul3A_259, %add3A_260 : i32
    %dma_start3A_262 = arith.constant 0 : i32
    %dma_start3A_263 = arith.constant 0 : i32
    %dma_start3A_264 = arith.constant 0 : i32
    %dma_start3A_265 = tpu.memref_slice %arg9[%dma_start3A_262, %dma_start3A_263, %dma_start3A_264] : memref<4x128x128xf32, #tpu.memory_space<vmem>> -> memref<1x128x128xf32, #tpu.memory_space<vmem>>
    %dma_start3A_266 = tpu.memref_squeeze %dma_start3A_265 : memref<1x128x128xf32, #tpu.memory_space<vmem>> -> memref<128x128xf32, #tpu.memory_space<vmem>>
    %dma_start3A_267 = arith.constant 0 : i32
    %dma_start3A_268 = tpu.memref_slice %arg7[%add3A_261, %dma_start3A_267] : memref<16384x128xf32, #tpu.memory_space<hbm>> -> memref<128x128xf32, #tpu.memory_space<hbm>>
    %dma_start3A_269 = arith.constant 0 : i32
    %dma_start3A_270 = tpu.memref_slice %arg7[%add3A_261, %dma_start3A_269] : memref<16384x128xf32, #tpu.memory_space<hbm>> -> memref<128x128xf32, #tpu.memory_space<hbm>>
    %dma_start3A_271 = arith.constant 0 : i32
    %dma_start3A_272 = arith.constant 0 : i32
    %dma_start3A_273 = tpu.memref_slice %arg9[%dma_start3A_262, %dma_start3A_271, %dma_start3A_272] : memref<4x128x128xf32, #tpu.memory_space<vmem>> -> memref<1x128x128xf32, #tpu.memory_space<vmem>>
    %dma_start3A_274 = tpu.memref_squeeze %dma_start3A_273 : memref<1x128x128xf32, #tpu.memory_space<vmem>> -> memref<128x128xf32, #tpu.memory_space<vmem>>
    tpu.enqueue_dma source(%dma_start3A_274 : memref<128x128xf32, #tpu.memory_space<vmem>>) target(%dma_start3A_270 : memref<128x128xf32, #tpu.memory_space<hbm>>) target_semaphore(%arg14 : memref<!tpu.dma_semaphore, #tpu.memory_space<semaphore_mem>>)
    %dma_wait3A_275 = arith.constant 3 : i32
    %dma_wait3A_276 = arith.constant 0 : i32
    %dma_wait3A_277 = arith.constant 0 : i32
    %dma_wait3A_278 = tpu.memref_slice %arg9[%dma_wait3A_275, %dma_wait3A_276, %dma_wait3A_277] : memref<4x128x128xf32, #tpu.memory_space<vmem>> -> memref<1x128x128xf32, #tpu.memory_space<vmem>>
    %dma_wait3A_279 = tpu.memref_squeeze %dma_wait3A_278 : memref<1x128x128xf32, #tpu.memory_space<vmem>> -> memref<128x128xf32, #tpu.memory_space<vmem>>
    %dma_wait3A_280 = arith.constant 0 : i32
    %dma_wait3A_281 = tpu.memref_slice %arg6[%add3A_211, %dma_wait3A_280] : memref<16384x128xf32, #tpu.memory_space<hbm>> -> memref<128x128xf32, #tpu.memory_space<hbm>>
    %dma_wait3A_282 = arith.constant 0 : i32
    %dma_wait3A_283 = tpu.memref_slice %arg6[%add3A_211, %dma_wait3A_282] : memref<16384x128xf32, #tpu.memory_space<hbm>> -> memref<128x128xf32, #tpu.memory_space<hbm>>
    %dma_wait3A_284 = arith.constant 0 : i32
    %dma_wait3A_285 = arith.constant 0 : i32
    %dma_wait3A_286 = tpu.memref_slice %arg9[%dma_wait3A_275, %dma_wait3A_284, %dma_wait3A_285] : memref<4x128x128xf32, #tpu.memory_space<vmem>> -> memref<1x128x128xf32, #tpu.memory_space<vmem>>
    %dma_wait3A_287 = tpu.memref_squeeze %dma_wait3A_286 : memref<1x128x128xf32, #tpu.memory_space<vmem>> -> memref<128x128xf32, #tpu.memory_space<vmem>>
    tpu.wait_dma2 semaphore(%arg17 : memref<!tpu.dma_semaphore, #tpu.memory_space<semaphore_mem>>) src(%dma_wait3A_287 : memref<128x128xf32, #tpu.memory_space<vmem>>) dst(%dma_wait3A_283 : memref<128x128xf32, #tpu.memory_space<hbm>>)
    %dma_start3A_288 = arith.constant 3 : i32
    %dma_start3A_289 = arith.constant 0 : i32
    %dma_start3A_290 = arith.constant 0 : i32
    %dma_start3A_291 = tpu.memref_slice %arg9[%dma_start3A_288, %dma_start3A_289, %dma_start3A_290] : memref<4x128x128xf32, #tpu.memory_space<vmem>> -> memref<1x128x128xf32, #tpu.memory_space<vmem>>
    %dma_start3A_292 = tpu.memref_squeeze %dma_start3A_291 : memref<1x128x128xf32, #tpu.memory_space<vmem>> -> memref<128x128xf32, #tpu.memory_space<vmem>>
    %dma_start3A_293 = arith.constant 896 : i32
    %dma_start3A_294 = tpu.memref_slice %arg8[%dma_start3A_293] : memref<1024xi32, #tpu.memory_space<vmem>> -> memref<128xi32, #tpu.memory_space<vmem>>
    %dma_start3A_295 = arith.constant 0 : i32
    %dma_start3A_296 = arith.constant 0 : i32
    %dma_start3A_297 = tpu.memref_slice %arg5[%dma_start3A_295, %dma_start3A_296] : memref<100000x128xf32, #tpu.memory_space<hbm>> -> memref<100000x128xf32, #tpu.memory_space<hbm>>
    tpu.enqueue_indirect_dma source(%dma_start3A_297 : memref<100000x128xf32, #tpu.memory_space<hbm>>) target(%dma_start3A_292 : memref<128x128xf32, #tpu.memory_space<vmem>>) offsets(%dma_start3A_294 : memref<128xi32, #tpu.memory_space<vmem>>) semaphore(%arg13 : memref<!tpu.dma_semaphore, #tpu.memory_space<semaphore_mem>>)
    %dma_wait3A_298 = arith.constant 1 : i32
    %dma_wait3A_299 = arith.constant 0 : i32
    %dma_wait3A_300 = arith.constant 0 : i32
    %dma_wait3A_301 = tpu.memref_slice %arg9[%dma_wait3A_298, %dma_wait3A_299, %dma_wait3A_300] : memref<4x128x128xf32, #tpu.memory_space<vmem>> -> memref<1x128x128xf32, #tpu.memory_space<vmem>>
    %dma_wait3A_302 = tpu.memref_squeeze %dma_wait3A_301 : memref<1x128x128xf32, #tpu.memory_space<vmem>> -> memref<128x128xf32, #tpu.memory_space<vmem>>
    %dma_wait3A_303 = arith.constant 640 : i32
    %dma_wait3A_304 = tpu.memref_slice %arg8[%dma_wait3A_303] : memref<1024xi32, #tpu.memory_space<vmem>> -> memref<128xi32, #tpu.memory_space<vmem>>
    %dma_wait3A_305 = arith.constant 0 : i32
    %dma_wait3A_306 = arith.constant 0 : i32
    %dma_wait3A_307 = tpu.memref_slice %arg5[%dma_wait3A_305, %dma_wait3A_306] : memref<100000x128xf32, #tpu.memory_space<hbm>> -> memref<100000x128xf32, #tpu.memory_space<hbm>>
    tpu.wait_indirect_dma semaphore(%arg11 : memref<!tpu.dma_semaphore, #tpu.memory_space<semaphore_mem>>) src(%dma_wait3A_307 : memref<100000x128xf32, #tpu.memory_space<hbm>>) dst(%dma_wait3A_302 : memref<128x128xf32, #tpu.memory_space<vmem>>)
    %mul3A_308 = arith.constant 512 : i32
    %mul3A_309 = arith.muli %add3A, %mul3A_308 : i32
    %add3A_310 = arith.constant 128 : i32
    %add3A_311 = arith.addi %mul3A_309, %add3A_310 : i32
    %dma_start3A_312 = arith.constant 1 : i32
    %dma_start3A_313 = arith.constant 0 : i32
    %dma_start3A_314 = arith.constant 0 : i32
    %dma_start3A_315 = tpu.memref_slice %arg9[%dma_start3A_312, %dma_start3A_313, %dma_start3A_314] : memref<4x128x128xf32, #tpu.memory_space<vmem>> -> memref<1x128x128xf32, #tpu.memory_space<vmem>>
    %dma_start3A_316 = tpu.memref_squeeze %dma_start3A_315 : memref<1x128x128xf32, #tpu.memory_space<vmem>> -> memref<128x128xf32, #tpu.memory_space<vmem>>
    %dma_start3A_317 = arith.constant 0 : i32
    %dma_start3A_318 = tpu.memref_slice %arg7[%add3A_311, %dma_start3A_317] : memref<16384x128xf32, #tpu.memory_space<hbm>> -> memref<128x128xf32, #tpu.memory_space<hbm>>
    %dma_start3A_319 = arith.constant 0 : i32
    %dma_start3A_320 = tpu.memref_slice %arg7[%add3A_311, %dma_start3A_319] : memref<16384x128xf32, #tpu.memory_space<hbm>> -> memref<128x128xf32, #tpu.memory_space<hbm>>
    %dma_start3A_321 = arith.constant 0 : i32
    %dma_start3A_322 = arith.constant 0 : i32
    %dma_start3A_323 = tpu.memref_slice %arg9[%dma_start3A_312, %dma_start3A_321, %dma_start3A_322] : memref<4x128x128xf32, #tpu.memory_space<vmem>> -> memref<1x128x128xf32, #tpu.memory_space<vmem>>
    %dma_start3A_324 = tpu.memref_squeeze %dma_start3A_323 : memref<1x128x128xf32, #tpu.memory_space<vmem>> -> memref<128x128xf32, #tpu.memory_space<vmem>>
    tpu.enqueue_dma source(%dma_start3A_324 : memref<128x128xf32, #tpu.memory_space<vmem>>) target(%dma_start3A_320 : memref<128x128xf32, #tpu.memory_space<hbm>>) target_semaphore(%arg15 : memref<!tpu.dma_semaphore, #tpu.memory_space<semaphore_mem>>)
    %dma_wait3A_325 = arith.constant 2 : i32
    %dma_wait3A_326 = arith.constant 0 : i32
    %dma_wait3A_327 = arith.constant 0 : i32
    %dma_wait3A_328 = tpu.memref_slice %arg9[%dma_wait3A_325, %dma_wait3A_326, %dma_wait3A_327] : memref<4x128x128xf32, #tpu.memory_space<vmem>> -> memref<1x128x128xf32, #tpu.memory_space<vmem>>
    %dma_wait3A_329 = tpu.memref_squeeze %dma_wait3A_328 : memref<1x128x128xf32, #tpu.memory_space<vmem>> -> memref<128x128xf32, #tpu.memory_space<vmem>>
    %dma_wait3A_330 = arith.constant 768 : i32
    %dma_wait3A_331 = tpu.memref_slice %arg8[%dma_wait3A_330] : memref<1024xi32, #tpu.memory_space<vmem>> -> memref<128xi32, #tpu.memory_space<vmem>>
    %dma_wait3A_332 = arith.constant 0 : i32
    %dma_wait3A_333 = arith.constant 0 : i32
    %dma_wait3A_334 = tpu.memref_slice %arg5[%dma_wait3A_332, %dma_wait3A_333] : memref<100000x128xf32, #tpu.memory_space<hbm>> -> memref<100000x128xf32, #tpu.memory_space<hbm>>
    tpu.wait_indirect_dma semaphore(%arg12 : memref<!tpu.dma_semaphore, #tpu.memory_space<semaphore_mem>>) src(%dma_wait3A_334 : memref<100000x128xf32, #tpu.memory_space<hbm>>) dst(%dma_wait3A_329 : memref<128x128xf32, #tpu.memory_space<vmem>>)
    %mul3A_335 = arith.constant 512 : i32
    %mul3A_336 = arith.muli %add3A, %mul3A_335 : i32
    %add3A_337 = arith.constant 256 : i32
    %add3A_338 = arith.addi %mul3A_336, %add3A_337 : i32
    %dma_start3A_339 = arith.constant 2 : i32
    %dma_start3A_340 = arith.constant 0 : i32
    %dma_start3A_341 = arith.constant 0 : i32
    %dma_start3A_342 = tpu.memref_slice %arg9[%dma_start3A_339, %dma_start3A_340, %dma_start3A_341] : memref<4x128x128xf32, #tpu.memory_space<vmem>> -> memref<1x128x128xf32, #tpu.memory_space<vmem>>
    %dma_start3A_343 = tpu.memref_squeeze %dma_start3A_342 : memref<1x128x128xf32, #tpu.memory_space<vmem>> -> memref<128x128xf32, #tpu.memory_space<vmem>>
    %dma_start3A_344 = arith.constant 0 : i32
    %dma_start3A_345 = tpu.memref_slice %arg7[%add3A_338, %dma_start3A_344] : memref<16384x128xf32, #tpu.memory_space<hbm>> -> memref<128x128xf32, #tpu.memory_space<hbm>>
    %dma_start3A_346 = arith.constant 0 : i32
    %dma_start3A_347 = tpu.memref_slice %arg7[%add3A_338, %dma_start3A_346] : memref<16384x128xf32, #tpu.memory_space<hbm>> -> memref<128x128xf32, #tpu.memory_space<hbm>>
    %dma_start3A_348 = arith.constant 0 : i32
    %dma_start3A_349 = arith.constant 0 : i32
    %dma_start3A_350 = tpu.memref_slice %arg9[%dma_start3A_339, %dma_start3A_348, %dma_start3A_349] : memref<4x128x128xf32, #tpu.memory_space<vmem>> -> memref<1x128x128xf32, #tpu.memory_space<vmem>>
    %dma_start3A_351 = tpu.memref_squeeze %dma_start3A_350 : memref<1x128x128xf32, #tpu.memory_space<vmem>> -> memref<128x128xf32, #tpu.memory_space<vmem>>
    tpu.enqueue_dma source(%dma_start3A_351 : memref<128x128xf32, #tpu.memory_space<vmem>>) target(%dma_start3A_347 : memref<128x128xf32, #tpu.memory_space<hbm>>) target_semaphore(%arg16 : memref<!tpu.dma_semaphore, #tpu.memory_space<semaphore_mem>>)
    %dma_wait3A_352 = arith.constant 3 : i32
    %dma_wait3A_353 = arith.constant 0 : i32
    %dma_wait3A_354 = arith.constant 0 : i32
    %dma_wait3A_355 = tpu.memref_slice %arg9[%dma_wait3A_352, %dma_wait3A_353, %dma_wait3A_354] : memref<4x128x128xf32, #tpu.memory_space<vmem>> -> memref<1x128x128xf32, #tpu.memory_space<vmem>>
    %dma_wait3A_356 = tpu.memref_squeeze %dma_wait3A_355 : memref<1x128x128xf32, #tpu.memory_space<vmem>> -> memref<128x128xf32, #tpu.memory_space<vmem>>
    %dma_wait3A_357 = arith.constant 896 : i32
    %dma_wait3A_358 = tpu.memref_slice %arg8[%dma_wait3A_357] : memref<1024xi32, #tpu.memory_space<vmem>> -> memref<128xi32, #tpu.memory_space<vmem>>
    %dma_wait3A_359 = arith.constant 0 : i32
    %dma_wait3A_360 = arith.constant 0 : i32
    %dma_wait3A_361 = tpu.memref_slice %arg5[%dma_wait3A_359, %dma_wait3A_360] : memref<100000x128xf32, #tpu.memory_space<hbm>> -> memref<100000x128xf32, #tpu.memory_space<hbm>>
    tpu.wait_indirect_dma semaphore(%arg13 : memref<!tpu.dma_semaphore, #tpu.memory_space<semaphore_mem>>) src(%dma_wait3A_361 : memref<100000x128xf32, #tpu.memory_space<hbm>>) dst(%dma_wait3A_356 : memref<128x128xf32, #tpu.memory_space<vmem>>)
    %mul3A_362 = arith.constant 512 : i32
    %mul3A_363 = arith.muli %add3A, %mul3A_362 : i32
    %add3A_364 = arith.constant 384 : i32
    %add3A_365 = arith.addi %mul3A_363, %add3A_364 : i32
    %dma_start3A_366 = arith.constant 3 : i32
    %dma_start3A_367 = arith.constant 0 : i32
    %dma_start3A_368 = arith.constant 0 : i32
    %dma_start3A_369 = tpu.memref_slice %arg9[%dma_start3A_366, %dma_start3A_367, %dma_start3A_368] : memref<4x128x128xf32, #tpu.memory_space<vmem>> -> memref<1x128x128xf32, #tpu.memory_space<vmem>>
    %dma_start3A_370 = tpu.memref_squeeze %dma_start3A_369 : memref<1x128x128xf32, #tpu.memory_space<vmem>> -> memref<128x128xf32, #tpu.memory_space<vmem>>
    %dma_start3A_371 = arith.constant 0 : i32
    %dma_start3A_372 = tpu.memref_slice %arg7[%add3A_365, %dma_start3A_371] : memref<16384x128xf32, #tpu.memory_space<hbm>> -> memref<128x128xf32, #tpu.memory_space<hbm>>
    %dma_start3A_373 = arith.constant 0 : i32
    %dma_start3A_374 = tpu.memref_slice %arg7[%add3A_365, %dma_start3A_373] : memref<16384x128xf32, #tpu.memory_space<hbm>> -> memref<128x128xf32, #tpu.memory_space<hbm>>
    %dma_start3A_375 = arith.constant 0 : i32
    %dma_start3A_376 = arith.constant 0 : i32
    %dma_start3A_377 = tpu.memref_slice %arg9[%dma_start3A_366, %dma_start3A_375, %dma_start3A_376] : memref<4x128x128xf32, #tpu.memory_space<vmem>> -> memref<1x128x128xf32, #tpu.memory_space<vmem>>
    %dma_start3A_378 = tpu.memref_squeeze %dma_start3A_377 : memref<1x128x128xf32, #tpu.memory_space<vmem>> -> memref<128x128xf32, #tpu.memory_space<vmem>>
    tpu.enqueue_dma source(%dma_start3A_378 : memref<128x128xf32, #tpu.memory_space<vmem>>) target(%dma_start3A_374 : memref<128x128xf32, #tpu.memory_space<hbm>>) target_semaphore(%arg17 : memref<!tpu.dma_semaphore, #tpu.memory_space<semaphore_mem>>)
    %dma_wait3A_379 = arith.constant 0 : i32
    %dma_wait3A_380 = arith.constant 0 : i32
    %dma_wait3A_381 = arith.constant 0 : i32
    %dma_wait3A_382 = tpu.memref_slice %arg9[%dma_wait3A_379, %dma_wait3A_380, %dma_wait3A_381] : memref<4x128x128xf32, #tpu.memory_space<vmem>> -> memref<1x128x128xf32, #tpu.memory_space<vmem>>
    %dma_wait3A_383 = tpu.memref_squeeze %dma_wait3A_382 : memref<1x128x128xf32, #tpu.memory_space<vmem>> -> memref<128x128xf32, #tpu.memory_space<vmem>>
    %dma_wait3A_384 = arith.constant 0 : i32
    %dma_wait3A_385 = tpu.memref_slice %arg7[%add3A_261, %dma_wait3A_384] : memref<16384x128xf32, #tpu.memory_space<hbm>> -> memref<128x128xf32, #tpu.memory_space<hbm>>
    %dma_wait3A_386 = arith.constant 0 : i32
    %dma_wait3A_387 = tpu.memref_slice %arg7[%add3A_261, %dma_wait3A_386] : memref<16384x128xf32, #tpu.memory_space<hbm>> -> memref<128x128xf32, #tpu.memory_space<hbm>>
    %dma_wait3A_388 = arith.constant 0 : i32
    %dma_wait3A_389 = arith.constant 0 : i32
    %dma_wait3A_390 = tpu.memref_slice %arg9[%dma_wait3A_379, %dma_wait3A_388, %dma_wait3A_389] : memref<4x128x128xf32, #tpu.memory_space<vmem>> -> memref<1x128x128xf32, #tpu.memory_space<vmem>>
    %dma_wait3A_391 = tpu.memref_squeeze %dma_wait3A_390 : memref<1x128x128xf32, #tpu.memory_space<vmem>> -> memref<128x128xf32, #tpu.memory_space<vmem>>
    tpu.wait_dma2 semaphore(%arg14 : memref<!tpu.dma_semaphore, #tpu.memory_space<semaphore_mem>>) src(%dma_wait3A_391 : memref<128x128xf32, #tpu.memory_space<vmem>>) dst(%dma_wait3A_387 : memref<128x128xf32, #tpu.memory_space<hbm>>)
    %dma_wait3A_392 = arith.constant 1 : i32
    %dma_wait3A_393 = arith.constant 0 : i32
    %dma_wait3A_394 = arith.constant 0 : i32
    %dma_wait3A_395 = tpu.memref_slice %arg9[%dma_wait3A_392, %dma_wait3A_393, %dma_wait3A_394] : memref<4x128x128xf32, #tpu.memory_space<vmem>> -> memref<1x128x128xf32, #tpu.memory_space<vmem>>
    %dma_wait3A_396 = tpu.memref_squeeze %dma_wait3A_395 : memref<1x128x128xf32, #tpu.memory_space<vmem>> -> memref<128x128xf32, #tpu.memory_space<vmem>>
    %dma_wait3A_397 = arith.constant 0 : i32
    %dma_wait3A_398 = tpu.memref_slice %arg7[%add3A_311, %dma_wait3A_397] : memref<16384x128xf32, #tpu.memory_space<hbm>> -> memref<128x128xf32, #tpu.memory_space<hbm>>
    %dma_wait3A_399 = arith.constant 0 : i32
    %dma_wait3A_400 = tpu.memref_slice %arg7[%add3A_311, %dma_wait3A_399] : memref<16384x128xf32, #tpu.memory_space<hbm>> -> memref<128x128xf32, #tpu.memory_space<hbm>>
    %dma_wait3A_401 = arith.constant 0 : i32
    %dma_wait3A_402 = arith.constant 0 : i32
    %dma_wait3A_403 = tpu.memref_slice %arg9[%dma_wait3A_392, %dma_wait3A_401, %dma_wait3A_402] : memref<4x128x128xf32, #tpu.memory_space<vmem>> -> memref<1x128x128xf32, #tpu.memory_space<vmem>>
    %dma_wait3A_404 = tpu.memref_squeeze %dma_wait3A_403 : memref<1x128x128xf32, #tpu.memory_space<vmem>> -> memref<128x128xf32, #tpu.memory_space<vmem>>
    tpu.wait_dma2 semaphore(%arg15 : memref<!tpu.dma_semaphore, #tpu.memory_space<semaphore_mem>>) src(%dma_wait3A_404 : memref<128x128xf32, #tpu.memory_space<vmem>>) dst(%dma_wait3A_400 : memref<128x128xf32, #tpu.memory_space<hbm>>)
    %dma_wait3A_405 = arith.constant 2 : i32
    %dma_wait3A_406 = arith.constant 0 : i32
    %dma_wait3A_407 = arith.constant 0 : i32
    %dma_wait3A_408 = tpu.memref_slice %arg9[%dma_wait3A_405, %dma_wait3A_406, %dma_wait3A_407] : memref<4x128x128xf32, #tpu.memory_space<vmem>> -> memref<1x128x128xf32, #tpu.memory_space<vmem>>
    %dma_wait3A_409 = tpu.memref_squeeze %dma_wait3A_408 : memref<1x128x128xf32, #tpu.memory_space<vmem>> -> memref<128x128xf32, #tpu.memory_space<vmem>>
    %dma_wait3A_410 = arith.constant 0 : i32
    %dma_wait3A_411 = tpu.memref_slice %arg7[%add3A_338, %dma_wait3A_410] : memref<16384x128xf32, #tpu.memory_space<hbm>> -> memref<128x128xf32, #tpu.memory_space<hbm>>
    %dma_wait3A_412 = arith.constant 0 : i32
    %dma_wait3A_413 = tpu.memref_slice %arg7[%add3A_338, %dma_wait3A_412] : memref<16384x128xf32, #tpu.memory_space<hbm>> -> memref<128x128xf32, #tpu.memory_space<hbm>>
    %dma_wait3A_414 = arith.constant 0 : i32
    %dma_wait3A_415 = arith.constant 0 : i32
    %dma_wait3A_416 = tpu.memref_slice %arg9[%dma_wait3A_405, %dma_wait3A_414, %dma_wait3A_415] : memref<4x128x128xf32, #tpu.memory_space<vmem>> -> memref<1x128x128xf32, #tpu.memory_space<vmem>>
    %dma_wait3A_417 = tpu.memref_squeeze %dma_wait3A_416 : memref<1x128x128xf32, #tpu.memory_space<vmem>> -> memref<128x128xf32, #tpu.memory_space<vmem>>
    tpu.wait_dma2 semaphore(%arg16 : memref<!tpu.dma_semaphore, #tpu.memory_space<semaphore_mem>>) src(%dma_wait3A_417 : memref<128x128xf32, #tpu.memory_space<vmem>>) dst(%dma_wait3A_413 : memref<128x128xf32, #tpu.memory_space<hbm>>)
    %dma_wait3A_418 = arith.constant 3 : i32
    %dma_wait3A_419 = arith.constant 0 : i32
    %dma_wait3A_420 = arith.constant 0 : i32
    %dma_wait3A_421 = tpu.memref_slice %arg9[%dma_wait3A_418, %dma_wait3A_419, %dma_wait3A_420] : memref<4x128x128xf32, #tpu.memory_space<vmem>> -> memref<1x128x128xf32, #tpu.memory_space<vmem>>
    %dma_wait3A_422 = tpu.memref_squeeze %dma_wait3A_421 : memref<1x128x128xf32, #tpu.memory_space<vmem>> -> memref<128x128xf32, #tpu.memory_space<vmem>>
    %dma_wait3A_423 = arith.constant 0 : i32
    %dma_wait3A_424 = tpu.memref_slice %arg7[%add3A_365, %dma_wait3A_423] : memref<16384x128xf32, #tpu.memory_space<hbm>> -> memref<128x128xf32, #tpu.memory_space<hbm>>
    %dma_wait3A_425 = arith.constant 0 : i32
    %dma_wait3A_426 = tpu.memref_slice %arg7[%add3A_365, %dma_wait3A_425] : memref<16384x128xf32, #tpu.memory_space<hbm>> -> memref<128x128xf32, #tpu.memory_space<hbm>>
    %dma_wait3A_427 = arith.constant 0 : i32
    %dma_wait3A_428 = arith.constant 0 : i32
    %dma_wait3A_429 = tpu.memref_slice %arg9[%dma_wait3A_418, %dma_wait3A_427, %dma_wait3A_428] : memref<4x128x128xf32, #tpu.memory_space<vmem>> -> memref<1x128x128xf32, #tpu.memory_space<vmem>>
    %dma_wait3A_430 = tpu.memref_squeeze %dma_wait3A_429 : memref<1x128x128xf32, #tpu.memory_space<vmem>> -> memref<128x128xf32, #tpu.memory_space<vmem>>
    tpu.wait_dma2 semaphore(%arg17 : memref<!tpu.dma_semaphore, #tpu.memory_space<semaphore_mem>>) src(%dma_wait3A_430 : memref<128x128xf32, #tpu.memory_space<vmem>>) dst(%dma_wait3A_426 : memref<128x128xf32, #tpu.memory_space<hbm>>)
    return
  }
}

module attributes {stable_mosaic.version = 14 : i64} {
  func.func @body(%arg0: i32, %arg1: memref<8192x128xf32, #tpu.memory_space<vmem>>, %arg2: memref<8192x128xf32, #tpu.memory_space<vmem>>, %arg3: memref<256x128xf32, #tpu.memory_space<vmem>>, %arg4: memref<128xf32, #tpu.memory_space<vmem>>, %arg5: memref<128x1xf32, #tpu.memory_space<vmem>>, %arg6: memref<1xf32, #tpu.memory_space<vmem>>, %arg7: memref<64x128xf32, #tpu.memory_space<vmem>>) attributes {dimension_semantics = [#tpu.dimension_semantics<parallel>], iteration_bounds = array<i64: 2>, scalar_prefetch = 0 : i64, scratch_operands = 0 : i64, tpu.core_type = #tpu.core_type<tc>, window_params = [{transform_indices = @transform_0, window_bounds = array<i64: 8192, 128>}, {transform_indices = @transform_1, window_bounds = array<i64: 8192, 128>}, {pipeline_mode = #tpu.pipeline_mode<synchronous>, transform_indices = @transform_2, window_bounds = array<i64: 256, 128>}, {pipeline_mode = #tpu.pipeline_mode<synchronous>, transform_indices = @transform_3, window_bounds = array<i64: 128>}, {pipeline_mode = #tpu.pipeline_mode<synchronous>, transform_indices = @transform_4, window_bounds = array<i64: 128, 1>}, {pipeline_mode = #tpu.pipeline_mode<synchronous>, transform_indices = @transform_5, window_bounds = array<i64: 1>}, {transform_indices = @transform_6, window_bounds = array<i64: 64, 128>}]} {
    %get3A = arith.constant 0 : index
    %get3A_0 = arith.constant 0 : index
    %get3A_1 = vector.load %arg1[%get3A, %get3A_0] : memref<8192x128xf32, #tpu.memory_space<vmem>>, vector<8192x128xf32>
    %get3A_2 = arith.constant 0 : index
    %get3A_3 = arith.constant 0 : index
    %get3A_4 = vector.load %arg3[%get3A_2, %get3A_3] : memref<256x128xf32, #tpu.memory_space<vmem>>, vector<128x128xf32>
    %dot_general3A = arith.constant dense<0.000000e+00> : vector<8192x128xf32>
    %dot_general3A_5 = tpu.matmul %get3A_1, %get3A_4, %dot_general3A {dimension_numbers = #tpu.dot_dimension_numbers<[1], [0], [0], [1], [0, 0, 1, 1], [], []>, transpose_lhs_hint = false} : vector<8192x128xf32>, vector<128x128xf32>, vector<8192x128xf32> -> vector<8192x128xf32>
    %get3A_6 = arith.constant 0 : index
    %get3A_7 = arith.constant 0 : index
    %get3A_8 = vector.load %arg2[%get3A_6, %get3A_7] : memref<8192x128xf32, #tpu.memory_space<vmem>>, vector<8192x128xf32>
    %get3A_9 = arith.constant 128 : index
    %get3A_10 = arith.constant 0 : index
    %get3A_11 = vector.load %arg3[%get3A_9, %get3A_10] : memref<256x128xf32, #tpu.memory_space<vmem>>, vector<128x128xf32>
    %dot_general3A_12 = arith.constant dense<0.000000e+00> : vector<8192x128xf32>
    %dot_general3A_13 = tpu.matmul %get3A_8, %get3A_11, %dot_general3A_12 {dimension_numbers = #tpu.dot_dimension_numbers<[1], [0], [0], [1], [0, 0, 1, 1], [], []>, transpose_lhs_hint = false} : vector<8192x128xf32>, vector<128x128xf32>, vector<8192x128xf32> -> vector<8192x128xf32>
    %add3A = arith.addf %dot_general3A_5, %dot_general3A_13 : vector<8192x128xf32>
    %get3A_14 = arith.constant 0 : index
    %get3A_15 = vector.load %arg4[%get3A_14] : memref<128xf32, #tpu.memory_space<vmem>>, vector<128xf32>
    %broadcast_in_dim3A = vector.shape_cast %get3A_15 : vector<128xf32> to vector<1x128xf32>
    %add3A_16 = vector.broadcast %broadcast_in_dim3A : vector<1x128xf32> to vector<8192x128xf32>
    %add3A_17 = arith.addf %add3A, %add3A_16 : vector<8192x128xf32>
    %max3A = arith.constant 0.000000e+00 : f32
    %max3A_18 = vector.broadcast %max3A : f32 to vector<8192x128xf32>
    %max3A_19 = arith.maximumf %add3A_17, %max3A_18 : vector<8192x128xf32>
    %get3A_20 = arith.constant 0 : index
    %get3A_21 = arith.constant 0 : index
    %get3A_22 = vector.load %arg5[%get3A_20, %get3A_21] : memref<128x1xf32, #tpu.memory_space<vmem>>, vector<128x1xf32>
    %dot_general3A_23 = arith.constant dense<0.000000e+00> : vector<8192x1xf32>
    %dot_general3A_24 = tpu.matmul %max3A_19, %get3A_22, %dot_general3A_23 {dimension_numbers = #tpu.dot_dimension_numbers<[1], [0], [0], [1], [0, 0, 1, 1], [], []>, transpose_lhs_hint = false} : vector<8192x128xf32>, vector<128x1xf32>, vector<8192x1xf32> -> vector<8192x1xf32>
    %get3A_25 = arith.constant 0 : index
    %get3A_26 = vector.load %arg6[%get3A_25] : memref<1xf32, #tpu.memory_space<vmem>>, vector<1xf32>
    %get3A_27 = vector.extract %get3A_26[0] : f32 from vector<1xf32>
    %add3A_28 = vector.broadcast %get3A_27 : f32 to vector<8192x1xf32>
    %add3A_29 = arith.addf %dot_general3A_24, %add3A_28 : vector<8192x1xf32>
    %reshape3A = vector.shape_cast %add3A_29 : vector<8192x1xf32> to vector<64x128xf32>
    %swap3A = arith.constant 0 : index
    %swap3A_30 = arith.constant 0 : index
    %swap3A_31 = vector.load %arg7[%swap3A, %swap3A_30] : memref<64x128xf32, #tpu.memory_space<vmem>>, vector<64x128xf32>
    tpu.vector_store %arg7[%swap3A, %swap3A_30], %reshape3A {strides = array<i32>} : memref<64x128xf32, #tpu.memory_space<vmem>>, vector<64x128xf32>,
    return
  }
  func.func @transform_0(%arg0: i32) -> (i32, i32) {
    %c0_i32 = arith.constant 0 : i32
    %c0_i32_0 = arith.constant 0 : i32
    return %arg0, %c0_i32 : i32, i32
  }
  func.func @transform_1(%arg0: i32) -> (i32, i32) {
    %c0_i32 = arith.constant 0 : i32
    %c0_i32_0 = arith.constant 0 : i32
    return %arg0, %c0_i32 : i32, i32
  }
  func.func @transform_2(%arg0: i32) -> (i32, i32) {
    %c0_i32 = arith.constant 0 : i32
    %c0_i32_0 = arith.constant 0 : i32
    %c0_i32_1 = arith.constant 0 : i32
    return %c0_i32, %c0_i32_0 : i32, i32
  }
  func.func @transform_3(%arg0: i32) -> i32 {
    %c0_i32 = arith.constant 0 : i32
    %c0_i32_0 = arith.constant 0 : i32
    return %c0_i32 : i32
  }
  func.func @transform_4(%arg0: i32) -> (i32, i32) {
    %c0_i32 = arith.constant 0 : i32
    %c0_i32_0 = arith.constant 0 : i32
    %c0_i32_1 = arith.constant 0 : i32
    return %c0_i32, %c0_i32_0 : i32, i32
  }
  func.func @transform_5(%arg0: i32) -> i32 {
    %c0_i32 = arith.constant 0 : i32
    %c0_i32_0 = arith.constant 0 : i32
    return %c0_i32 : i32
  }
  func.func @transform_6(%arg0: i32) -> (i32, i32) {
    %c0_i32 = arith.constant 0 : i32
    %c0_i32_0 = arith.constant 0 : i32
    return %arg0, %c0_i32 : i32, i32
  }
}

</mosaic_0001>

<sc_bundles>
// kernel: kernel.4.cloned.1.call-start
scs
__scs_entry_jumppad:
0x0: {  	(pc) =	sbr.rel $0x88, $3  }
0x1: {  	(tag) =	ssettag $0x0;
	lr =	simm.s32 $0x1  }
0x2: {  	[smem:$0x3F99] =	sst lr;
	_ =	strace $0xD0000000  }
0x3: {  	_ = 	snop  }
0x4: {  	_ = 	snop  }
0x5: {  	_ = 	snop  }
0x6: {  	_ = 	snop  }
0x7: {  	_ = 	snop  }
__scs_overlays_trampoline_lowered:
0x8: {  	[smem:$0x3FA8] =	sst s0  }
0x9: {  	[smem:$0x3FA9] =	sst s1  }
0xa: {  	[smem:$0x3FAA] =	sst s2  }
0xb: {  	[smem:$0x3FAB] =	sst s3  }
0xc: {  	[smem:$0x3FAC] =	sst s4  }
0xd: {  	[smem:$0x3FAD] =	sst s5  }
0xe: {  	[smem:$0x3FAE] =	sst s6  }
0xf: {  	[smem:$0x3FAF] =	sst s7  }
0x10: {  	[smem:$0x3FB0] =	sst s8  }
0x11: {  	[smem:$0x3FB1] =	sst s9;
	s0 =	simm.s32 @!p0 $0x0  }
0x12: {  	s1 =	sld [smem:$0x3F97];
	s0 =	simm.s32 @p0 $0x1  }
0x13: {  	[smem:$0x3FB2] =	sst s0;
	s0 =	simm.s32 @!p1 $0x0  }
0x14: {  	s2 =	sld [smem:$0x3F96];
	s0 =	simm.s32 @p1 $0x1  }
0x15: {  	[smem:$0x3FB3] =	sst s0;
	s0 =	simm.s32 @!p2 $0x0  }
0x16: {  	s3 =	sld [smem:$0x3FDB];
	s0 =	simm.s32 @p2 $0x1  }
0x17: {  	s4 =	simm.s32 $0x1BF5;
	[smem:$0x3FB5] =	sst s0  }
0x18: {  	s0 =	sld [smem:$0x3F98];
	_ =	swait.ge [sflag:s4], $0x0  }
0x19: {  	s7 =	sld [smem:$0x3F99]  }
0x1a: {  	s8 =	sadd.s32 $0xFFFFE003, lr  }
0x1b: {  	s9 =	sadd.s32 $0xFFFFFEF7, lr;
	s5 =	simm.s32 $0xFFFFFFFF;
	p2 =	slt.u32 s8, $0xFFFFF086  }
0x1c: {  	p1 =	slt.u32 s9, $0xF7A;
	s5 =	simm.s32 @!p2 $0x0  }
0x1d: {  	s5 =	simm.s32 @p1 $0x1;
	p0 =	seq.s32 s7, s2  }
0x1e: {  	s7 =	smul.u32 @!p0 $0xF7A, s2;
	p2 =	seq.s32 @!p0 s5, $0x0  }
0x1f: {  	s9 =	smul.u32 $0xF7A, s1;
	s8 =	simm.s32 @!p0 $0x1BF5;
	p2 =	por !p2, p0  }
0x20: {  	[sflag:s8] =	ssyncset.s32 @!p0 $0xFFFFF086;
	s6 =	sadd.s32 @!p0 s3, s7;
	s7 =	simm.s32 @!p0 $0x108  }
0x21: {  	s3 =	sadd.s32 s3, s9;
	s6 =	sadd.s32 @!p0 $0x88, s6;
	s7 =	simm.s32 @p2 $0x1082  }
0x22: {  	[simem:s7], [sflag:s8] =	dma.local @!p0 [hbm:s6], $0xF7A  }
0x23: {  	s9 =	sor.u32 $0xD0000000, s2;
	s6 =	simm.s32 $0x108;
	_ =	swait.ge @!p0 [sflag:s8], $0x0  }
0x24: {  	s3 =	sadd.s32 $0x88, s3;
	s6 =	simm.s32 @!p1 $0x1082;
	[sflag:s4] =	ssyncset.s32 $0xFFFFF086  }
0x25: {  	[simem:s6], [sflag:s4] =	dma.local [hbm:s3], $0xF7A  }
0x26: {  	[smem:$0x3F99] =	sst s1;
	(tag) =	ssettag s2;
	_ =	strace s9  }
0x27: {  	s1 =	sld [smem:$0x3FA9]  }
0x28: {  	s2 =	sld [smem:$0x3FAA]  }
0x29: {  	s4 =	sld [smem:$0x3FAC]  }
0x2a: {  	p0 =	seq.s32 s5, $0x0;
	s5 =	sld [smem:$0x3FAD]  }
0x2b: {  	s6 =	sld [smem:$0x3FAE]  }
0x2c: {  	s7 =	sld [smem:$0x3FAF]  }
0x2d: {  	s3 =	simm.s32 $0x108;
	s8 =	sld [smem:$0x3FB0]  }
0x2e: {  	s3 =	simm.s32 @!p0 $0x1082;
	s9 =	sld [smem:$0x3FB1]  }
0x2f: {  	lr =	sadd.s32 s0, s3;
	s0 =	sld [smem:$0x3FA8]  }
0x30: {  	s3 =	sld [smem:$0x3FAB]  }
0x31: {  	[smem:$0x3FB4] =	sst s10  }
0x32: {  	s10 =	sld [smem:$0x3FB2];
	_ =	sdelay $0x3  }
0x33: {  	p0 =	seq.s32 s10, $0x1;
	s10 =	sld [smem:$0x3FB4];
	_ =	sdelay $0x3  }
0x34: {  	[smem:$0x3FB4] =	sst s10  }
0x35: {  	s10 =	sld [smem:$0x3FB3];
	_ =	sdelay $0x3  }
0x36: {  	p1 =	seq.s32 s10, $0x1;
	s10 =	sld [smem:$0x3FB4];
	_ =	sdelay $0x3  }
0x37: {  	[smem:$0x3FB4] =	sst s10  }
0x38: {  	s10 =	sld [smem:$0x3FB5]  }
0x39: {  	_ = 	snop;
	(pc) =	sbr.ind lr, $3  }
0x3a: {  	_ = 	snop  }
0x3b: {  	_ = 	snop  }
0x3c: {  	p2 =	seq.s32 s10, $0x1;
	s10 =	sld [smem:$0x3FB4]  }
0x3d: {  	_ =	shalt  }
0x3e: {  	_ =	shalt  }
0x3f: {  	_ =	shalt  }
0x40: {  	_ =	shalt  }
0x41: {  	_ =	shalt  }
0x42: {  	_ =	shalt  }
0x43: {  	_ =	shalt  }
0x44: {  	_ =	shalt  }
0x45: {  	_ =	shalt  }
0x46: {  	_ =	shalt  }
0x47: {  	_ =	shalt  }
0x48: {  	_ =	shalt  }
0x49: {  	_ =	shalt  }
0x4a: {  	_ =	shalt  }
0x4b: {  	_ =	shalt  }
0x4c: {  	_ =	shalt  }
0x4d: {  	_ =	shalt  }
0x4e: {  	_ =	shalt  }
0x4f: {  	_ =	shalt  }
0x50: {  	_ =	shalt  }
0x51: {  	_ =	shalt  }
0x52: {  	_ =	shalt  }
0x53: {  	_ =	shalt  }
0x54: {  	_ =	shalt  }
0x55: {  	_ =	shalt  }
0x56: {  	_ =	shalt  }
0x57: {  	_ =	shalt  }
0x58: {  	_ =	shalt  }
0x59: {  	_ =	shalt  }
0x5a: {  	_ =	shalt  }
0x5b: {  	_ =	shalt  }
0x5c: {  	_ =	shalt  }
0x5d: {  	_ =	shalt  }
0x5e: {  	_ =	shalt  }
0x5f: {  	_ =	shalt  }
0x60: {  	_ =	shalt  }
0x61: {  	_ =	shalt  }
0x62: {  	_ =	shalt  }
0x63: {  	_ =	shalt  }
0x64: {  	_ =	shalt  }
0x65: {  	_ =	shalt  }
0x66: {  	_ =	shalt  }
0x67: {  	_ =	shalt  }
0x68: {  	_ =	shalt  }
0x69: {  	_ =	shalt  }
0x6a: {  	_ =	shalt  }
0x6b: {  	_ =	shalt  }
0x6c: {  	_ =	shalt  }
0x6d: {  	_ =	shalt  }
0x6e: {  	_ =	shalt  }
0x6f: {  	_ =	shalt  }
0x70: {  	_ =	shalt  }
0x71: {  	_ =	shalt  }
0x72: {  	_ =	shalt  }
0x73: {  	_ =	shalt  }
0x74: {  	_ =	shalt  }
0x75: {  	_ =	shalt  }
0x76: {  	_ =	shalt  }
0x77: {  	_ =	shalt  }
0x78: {  	_ =	shalt  }
0x79: {  	_ =	shalt  }
0x7a: {  	_ =	shalt  }
0x7b: {  	_ =	shalt  }
0x7c: {  	_ =	shalt  }
0x7d: {  	_ =	shalt  }
0x7e: {  	_ =	shalt  }
0x7f: {  	_ =	shalt  }
0x80: {  	_ =	shalt  }
0x81: {  	_ =	shalt  }
0x82: {  	_ =	shalt  }
0x83: {  	_ =	shalt  }
0x84: {  	_ =	shalt  }
0x85: {  	_ =	shalt  }
0x86: {  	_ =	shalt  }
0x87: {  	_ =	shalt  }
.Lfunc_end0:
.L_simem_size_0:
called_computation_lowered:
.L_overlay_start_0:
0x88: {  	s2 =	sld [smem:$0x3FD9]  }
0x89: {  	s3 =	sld [smem:$0x3FFE];
	_ =	sdelay $0x1  }
0x8a: {  	s1 =	srdreg.scid  }
0x8b: {  	s0 =	sand.u32 $0x1, s1  }
0x8c: {  	s17 =	sshll.u32 s0, $0xA;
	s2 =	sadd.s32 s3, s2  }
0x8d: {  	s2 =	sadd.s32 s2, s17  }
0x8e: {  	[smem:$0x3FC0] =	sst s2  }
0x8f: {  	_ = 	snop  }
0x90: {  	s2 =	sld [smem:$0x3FC9]  }
0x91: {  	s18 =	sld [smem:$0x3FC8]  }
0x92: {  	s4 =	sld [smem:$0x3FC7]  }
0x93: {  	s5 =	sld [smem:$0x3FC6];
	(tm) =	ssettm $0x1  }
0x94: {  	s6 =	sld [smem:$0x3FFB];
	_ =	sdelay $0x3  }
0x95: {  	_ =	strace s6  }
0x96: {  	s6 =	sld [smem:$0x3FFC];
	_ =	sdelay $0x3  }
0x97: {  	_ =	strace s6  }
0x98: {  	s6 =	sld [smem:$0x3FFD];
	_ =	sdelay $0x3  }
0x99: {  	_ =	strace s6  }
0x9a: {  	_ =	strace $0x8FFFFFFF  }
0x9b: {  	s19 =	sld [smem:$0x3FDB];
	_ =	sdelay $0x1  }
0x9c: {  	s7 =	simm.s32 $_scs_section_size  }
0x9d: {  	s8 =	simm.s32 $_size__tile_overlayer_lowered;
	s9 =	simm.s32 $_tile_overlayer_lowered  }
0x9e: {  	s22 =	simm.s32 $0x1BFF;
	s21 =	sshll.u32 s9, $0x1;
	s6 =	sadd.s32 s7, s19  }
0x9f: {  	s10 =	simm.s32 $0x0;
	s20 =	sshll.u32 s8, $0x1;
	s8 =	sadd.s32 s21, s6  }
0xa0: {  	[timem:s10], [sflag:s22] =	dma.local [hbm:s8], s20  }
0xa1: {  	_ =	swait.ge [sflag:s22], s20  }
0xa2: {  	s7 =	ssub.s32 $0x0, s20;
	[sflag:s22] =	ssyncset.done $0x0  }
0xa3: {  	[sflag:s22] =	ssyncadd.s32 s7;
	_ =	sdelay $0x1  }
0xa4: {  	s23 =	simm.s32 $0x1B8B  }
0xa5: {  	_ =	swait.ge [sflag:s23], $0x1  }
0xa6: {  	[sflag:s23] =	ssyncset.done $0x0  }
0xa7: {  	s25 =	simm.s32 $0x1B8E;
	s24 =	sld [smem:$0x3FFE];
	[sflag:s23] =	ssyncadd.s32 $0xFFFFFFFF  }
0xa8: {  	s26 =	simm.s32 $execute0_lowered;
	[smem:$0x3FD2] =	sst s25  }
0xa9: {  	s8 =	sshll.u32 s26, $0x1;
	_ =	strace $0x80000046;
	[dreg:$0x1] =	wrdreg $0xFFFFFFFF  }
0xaa: {  	s28 =	simm.s32 $_size_execute0_lowered;
	s6 =	sadd.s32 s6, s8;
	[dreg:$0x0] =	wrdreg $0x0  }
0xab: {  	s8 =	sshll.u32 s28, $0x1;
	[dreg:$0x2] =	wrdreg s6  }
0xac: {  	[dreg:$0x3] =	wrdreg s8  }
0xad: {  	[dreg:$0x4] =	wrdreg $0xC0  }
0xae: {  	_ =	task [dreg:s10], $0x5FFFF  }
0xaf: {  	[dreg:$0x1] =	wrdreg $0xFFFFFFFF  }
0xb0: {  	[dreg:$0x0] =	wrdreg $0x60  }
0xb1: {  	[dreg:$0x2] =	wrdreg s2  }
0xb2: {  	[dreg:$0x3] =	wrdreg s18  }
0xb3: {  	[dreg:$0x4] =	wrdreg s4  }
0xb4: {  	[dreg:$0x5] =	wrdreg s5  }
0xb5: {  	[dreg:$0x6] =	wrdreg s24  }
0xb6: {  	[dreg:$0x7] =	wrdreg $0x9  }
0xb7: {  	_ =	task.clear_ibuf [dreg:s10], $0x8FFFF;
	_ =	strace $0x90000046  }
0xb8: {  	s29 =	simm.s32 $0x9;
	_ =	strace $0x80000048  }
0xb9: {  	_ =	swait.ge [sflag:s29], $0x1  }
0xba: {  	[sflag:s29] =	ssyncadd.s32 $0xFFFFFFFF  }
0xbb: {  	_ =	strace $0x90000048  }
0xbc: {  	_ =	sfence  }
0xbd: {  	s30 =	sld [smem:$0x0];
	_ =	sdelay $0x2  }
0xbe: {  	s31 =	sshll.u32 s1, $0xD;
	s1 =	sshrl.u32 s1, $0x2  }
0xbf: {  	s3 =	sand.u32 $0x4000, s31;
	s1 =	sadd.s32 s1, s30  }
0xc0: {  	s0 =	sor.u32 s3, s0;
	s1 =	sshll.u32 s1, $0x11  }
0xc1: {  	s0 =	sor.u32 s1, s0  }
0xc2: {  	s0 =	sadd.s32 $0x8F2B, s0  }
0xc3: {  	[sflag:s0] =	ssyncadd.remote.s32 $0x1  }
0xc4: {  	_ =	sfence.sel $0xFFFF  }
0xc5: {  	[dreg:$0x0] =	wrdreg $0xFFFFFFFF;
	(pc) =	sbr.abs _section_cstart, $3  }
0xc6: {  	[dreg:$0x1] =	wrdreg $0xFFFFFFFF  }
0xc7: {  	_ =	task.clear_ibuf [dreg:s10], $0x2FFFF;
	_ =	strace $0x9FFFFFFF  }
0xc8: {  	(tm) =	ssettm $0x7FFFFFFF  }
0xc9: {  	_ =	shalt  }
tec
execute0_lowered:
.L_overlay_start_1:
0x0: {  	(tag) =	ssettag $0x1  }
0x1: {  	s5 =	rddreg [dreg:$0x0]  }
0x2: {  	s6 =	rddreg [dreg:$0x1];
	s1 =	srdreg.scid  }
0x3: {  	s2 =	rddreg [dreg:$0x2];
	s0 =	stileid.u32;
	s1 =	sand.u32 $0x1, s1  }
0x4: {  	s3 =	rddreg [dreg:$0x3];
	s7 =	sshll.u32 s0, $0xA;
	s8 =	sshll.u32 s1, $0x9  }
0x5: {  	s25 =	rddreg [dreg:$0x4];
	s4 =	simm.s32 $0x0;
	s7 =	sor.u32 s8, s7  }
0x6: {  	[smem:$0x7FF] =	sst s4;
	s8 =	sshrl.u32 s7, $0x3  }
0x7: {  	s22 =	sadd.s32 $0x1200, s25;
	_ =	strace $0x80000047;
	s5 =	sadd.s32 s5, s8  }
0x8: {  	s26 =	sshll.u32 s7, $0x4;
	s17 =	sadd.s32 s6, s8;
	[dreg:$0x6] =	wrdreg s5  }
0x9: {  	s18 =	sadd.s32 s22, s26;
	[dreg:$0x7] =	wrdreg s17  }
0xa: {  	s29 =	sor.u32 $0x800, s26;
	[dreg:$0x8] =	wrdreg s18  }
0xb: {  	s19 =	sadd.s32 s22, s29;
	s20 =	rddreg [dreg:$0x6]  }
0xc: {  	s30 =	sor.u32 $0x1000, s26;
	[dreg:$0x9] =	wrdreg s19  }
0xd: {  	s21 =	sadd.s32 s22, s30;
	s23 =	rddreg [dreg:$0x7]  }
0xe: {  	[tilespmem:s4], [sflag:$0x9] =	stream.linear.gather [hbm4b:s20+s4], $0x200, $0x38;
	[tilespmem:$0x10400] =	vst v63  }
0xf: {  	s6 =	simm.s32 $0x9;
	s5 =	simm.s32 $0x200;
	[dreg:$0xa] =	wrdreg s21  }
0x10: {  	[tilespmem:s5], [sflag:$0xA] =	stream.linear.gather [hbm4b:s23+s4], $0x200, $0x38;
	[tilespmem:$0x10400] =	vst v63  }
0x11: {  	_ =	swait.ge [sflag:s6], $0x200  }
0x12: {  	[sflag:s6] =	ssyncset.done $0x0  }
0x13: {  	s7 =	simm.s32 $0x80;
	s8 =	simm.s32 $0x400;
	[sflag:s6] =	ssyncadd.s32 $0xFFFFFE00  }
0x14: {  	[tilespmem:s8], [sflag:$0x1] =	stream.indirect.gather [hbm4b:s2+s7], $0x80, s4, s7, $0xb8;
	[tilespmem:$0x10400] =	vst v63  }
0x15: {  	s9 =	simm.s32 $0x4400  }
0x16: {  	[tilespmem:s9], [sflag:$0x2] =	stream.indirect.gather [hbm4b:s2+s7], $0x80, s7, s7, $0xb8;
	[tilespmem:$0x10400] =	vst v63  }
0x17: {  	s24 =	simm.s32 $0x100;
	s11 =	simm.s32 $0x8400;
	s12 =	simm.s32 $0x1  }
0x18: {  	[tilespmem:s11], [sflag:$0x3] =	stream.indirect.gather [hbm4b:s2+s7], $0x80, s24, s7, $0xb8;
	[tilespmem:$0x10400] =	vst v63  }
0x19: {  	_ =	swait.ge [sflag:s12], $0x4000  }
0x1a: {  	[sflag:s12] =	ssyncset.done $0x0  }
0x1b: {  	s13 =	rddreg [dreg:$0x8];
	[sflag:s12] =	ssyncadd.s32 $0xFFFFC000  }
0x1c: {  	[hbm4b:s13+s4] =	stream.linear.scatter [tilespmem:s8], [sflag:$0x5], $0x4000, $0x38;
	[tilespmem:$0x10400] =	vst v63  }
0x1d: {  	s14 =	simm.s32 $0xC400;
	s15 =	simm.s32 $0x2;
	s13 =	simm.s32 $0x180  }
0x1e: {  	[tilespmem:s14], [sflag:$0x4] =	stream.indirect.gather [hbm4b:s2+s7], $0x80, s13, s7, $0xb8;
	[tilespmem:$0x10400] =	vst v63  }
0x1f: {  	_ =	swait.ge [sflag:s15], $0x4000  }
0x20: {  	[sflag:s15] =	ssyncset.done $0x0  }
0x21: {  	s16 =	simm.s32 $0xA;
	s17 =	rddreg [dreg:$0x9];
	[sflag:s15] =	ssyncadd.s32 $0xFFFFC000  }
0x22: {  	[hbm4b:s17+s4] =	stream.linear.scatter [tilespmem:s9], [sflag:$0x6], $0x4000, $0x38;
	[tilespmem:$0x10400] =	vst v63  }
0x23: {  	_ =	swait.ge [sflag:s16], $0x200  }
0x24: {  	[sflag:s16] =	ssyncset.done $0x0  }
0x25: {  	s17 =	simm.s32 $0x5;
	[sflag:s16] =	ssyncadd.s32 $0xFFFFFE00  }
0x26: {  	_ =	swait.ge [sflag:s17], $0x4000  }
0x27: {  	[sflag:s17] =	ssyncset.done $0x0  }
0x28: {  	s18 =	simm.s32 $0x3;
	[sflag:s17] =	ssyncadd.s32 $0xFFFFC000  }
0x29: {  	[tilespmem:s8], [sflag:$0x1] =	stream.indirect.gather [hbm4b:s3+s7], $0x80, s5, s7, $0xb8;
	[tilespmem:$0x10400] =	vst v63  }
0x2a: {  	_ =	swait.ge [sflag:s18], $0x4000  }
0x2b: {  	[sflag:s18] =	ssyncset.done $0x0  }
0x2c: {  	s19 =	rddreg [dreg:$0xa];
	[sflag:s18] =	ssyncadd.s32 $0xFFFFC000  }
0x2d: {  	[hbm4b:s19+s4] =	stream.linear.scatter [tilespmem:s11], [sflag:$0x7], $0x4000, $0x38;
	[tilespmem:$0x10400] =	vst v63  }
0x2e: {  	s19 =	simm.s32 $0x6  }
0x2f: {  	_ =	swait.ge [sflag:s19], $0x4000  }
0x30: {  	[sflag:s19] =	ssyncset.done $0x0  }
0x31: {  	s21 =	simm.s32 $0x4;
	s20 =	simm.s32 $0x280;
	[sflag:s19] =	ssyncadd.s32 $0xFFFFC000  }
0x32: {  	[tilespmem:s9], [sflag:$0x2] =	stream.indirect.gather [hbm4b:s3+s7], $0x80, s20, s7, $0xb8;
	[tilespmem:$0x10400] =	vst v63  }
0x33: {  	_ =	swait.ge [sflag:s21], $0x4000  }
0x34: {  	s31 =	sor.u32 $0x1800, s26;
	[sflag:s21] =	ssyncset.done $0x0  }
0x35: {  	s22 =	sadd.s32 s22, s31;
	s23 =	simm.s32 $0x7;
	[sflag:s21] =	ssyncadd.s32 $0xFFFFC000  }
0x36: {  	[hbm4b:s22+s4] =	stream.linear.scatter [tilespmem:s14], [sflag:$0x8], $0x4000, $0x38;
	[tilespmem:$0x10400] =	vst v63  }
0x37: {  	_ =	swait.ge [sflag:s23], $0x4000  }
0x38: {  	[sflag:s23] =	ssyncset.done $0x0  }
0x39: {  	s24 =	simm.s32 $0x300;
	[sflag:s23] =	ssyncadd.s32 $0xFFFFC000  }
0x3a: {  	[tilespmem:s11], [sflag:$0x3] =	stream.indirect.gather [hbm4b:s3+s7], $0x80, s24, s7, $0xb8;
	[tilespmem:$0x10400] =	vst v63  }
0x3b: {  	_ =	swait.ge [sflag:s12], $0x4000  }
0x3c: {  	s10 =	sadd.s32 $0x41200, s25;
	[sflag:s12] =	ssyncset.done $0x0  }
0x3d: {  	s25 =	sadd.s32 s10, s26;
	s26 =	simm.s32 $0x8;
	[sflag:s12] =	ssyncadd.s32 $0xFFFFC000  }
0x3e: {  	[hbm4b:s25+s4] =	stream.linear.scatter [tilespmem:s8], [sflag:$0x5], $0x4000, $0x38;
	[tilespmem:$0x10400] =	vst v63  }
0x3f: {  	_ =	swait.ge [sflag:s26], $0x4000  }
0x40: {  	[sflag:s26] =	ssyncset.done $0x0  }
0x41: {  	s28 =	simm.s32 $0x380;
	[sflag:s26] =	ssyncadd.s32 $0xFFFFC000  }
0x42: {  	[tilespmem:s14], [sflag:$0x4] =	stream.indirect.gather [hbm4b:s3+s7], $0x80, s28, s7, $0xb8;
	[tilespmem:$0x10400] =	vst v63  }
0x43: {  	_ =	swait.ge [sflag:s15], $0x4000  }
0x44: {  	[sflag:s15] =	ssyncset.done $0x0  }
0x45: {  	s29 =	sadd.s32 s10, s29;
	[sflag:s15] =	ssyncadd.s32 $0xFFFFC000  }
0x46: {  	[hbm4b:s29+s4] =	stream.linear.scatter [tilespmem:s9], [sflag:$0x6], $0x4000, $0x38;
	[tilespmem:$0x10400] =	vst v63  }
0x47: {  	_ =	swait.ge [sflag:s18], $0x4000  }
0x48: {  	[sflag:s18] =	ssyncset.done $0x0  }
0x49: {  	s30 =	sadd.s32 s10, s30;
	[sflag:s18] =	ssyncadd.s32 $0xFFFFC000  }
0x4a: {  	[hbm4b:s30+s4] =	stream.linear.scatter [tilespmem:s11], [sflag:$0x7], $0x4000, $0x38;
	[tilespmem:$0x10400] =	vst v63  }
0x4b: {  	_ =	swait.ge [sflag:s21], $0x4000  }
0x4c: {  	[sflag:s21] =	ssyncset.done $0x0  }
0x4d: {  	s31 =	sadd.s32 s10, s31;
	[sflag:s21] =	ssyncadd.s32 $0xFFFFC000  }
0x4e: {  	[hbm4b:s31+s4] =	stream.linear.scatter [tilespmem:s14], [sflag:$0x8], $0x4000, $0x38;
	[tilespmem:$0x10400] =	vst v63  }
0x4f: {  	s10 =	ssub.s32 $0x2, s1;
	_ =	swait.ge [sflag:s17], $0x4000  }
0x50: {  	s1 =	sshrl.u32 s10, $0x1;
	[sflag:s17] =	ssyncset.done $0x0  }
0x51: {  	s0 =	ssub.s32 s10, s1;
	[sflag:s17] =	ssyncadd.s32 $0xFFFFC000  }
0x52: {  	s0 =	smax.u32 s0, $0x1;
	_ =	swait.ge [sflag:s19], $0x4000  }
0x53: {  	p0 =	sne.s32 s0, $0x1;
	[sflag:s19] =	ssyncset.done $0x0  }
.Ltmp0:
0x54: {  	[sflag:s19] =	ssyncadd.s32 $0xFFFFC000;
	(pc) =	sbr.rel @!p0 .LBB2_2-.Ltmp0, $4  }
0x55: {  	_ =	swait.ge [sflag:s23], $0x4000  }
0x56: {  	[sflag:s23] =	ssyncset.done $0x0  }
0x57: {  	[sflag:s23] =	ssyncadd.s32 $0xFFFFC000  }
0x58: {  	s1 =	sadd.s32 $0xFFFFFFFF, s0;
	_ =	swait.ge [sflag:s26], $0x4000  }
.LBB2_1:
0x59: {  	[sflag:s26] =	ssyncset.done $0x0  }
0x5a: {  	s0 =	rddreg [dreg:$0x6];
	[sflag:s26] =	ssyncadd.s32 $0xFFFFC000  }
0x5b: {  	[tilespmem:s4], [sflag:$0x9] =	stream.linear.gather [hbm4b:s0+s4], $0x200, $0x38;
	[tilespmem:$0x10400] =	vst v63  }
0x5c: {  	s10 =	rddreg [dreg:$0x7]  }
0x5d: {  	[tilespmem:s5], [sflag:$0xA] =	stream.linear.gather [hbm4b:s10+s4], $0x200, $0x38;
	[tilespmem:$0x10400] =	vst v63  }
0x5e: {  	_ =	swait.ge [sflag:s6], $0x200  }
0x5f: {  	[sflag:s6] =	ssyncset.done $0x0  }
0x60: {  	[sflag:s6] =	ssyncadd.s32 $0xFFFFFE00  }
0x61: {  	[tilespmem:s8], [sflag:$0x1] =	stream.indirect.gather [hbm4b:s2+s7], $0x80, s4, s7, $0xb8;
	[tilespmem:$0x10400] =	vst v63  }
0x62: {  	_ = 	snop  }
0x63: {  	[tilespmem:s9], [sflag:$0x2] =	stream.indirect.gather [hbm4b:s2+s7], $0x80, s7, s7, $0xb8;
	[tilespmem:$0x10400] =	vst v63  }
0x64: {  	s10 =	simm.s32 $0x100  }
0x65: {  	[tilespmem:s11], [sflag:$0x3] =	stream.indirect.gather [hbm4b:s2+s7], $0x80, s10, s7, $0xb8;
	[tilespmem:$0x10400] =	vst v63  }
0x66: {  	_ =	swait.ge [sflag:s12], $0x4000  }
0x67: {  	[sflag:s12] =	ssyncset.done $0x0  }
0x68: {  	s10 =	rddreg [dreg:$0x8];
	[sflag:s12] =	ssyncadd.s32 $0xFFFFC000  }
0x69: {  	[hbm4b:s10+s4] =	stream.linear.scatter [tilespmem:s8], [sflag:$0x5], $0x4000, $0x38;
	[tilespmem:$0x10400] =	vst v63  }
0x6a: {  	_ = 	snop  }
0x6b: {  	[tilespmem:s14], [sflag:$0x4] =	stream.indirect.gather [hbm4b:s2+s7], $0x80, s13, s7, $0xb8;
	[tilespmem:$0x10400] =	vst v63  }
0x6c: {  	_ =	swait.ge [sflag:s15], $0x4000  }
0x6d: {  	[sflag:s15] =	ssyncset.done $0x0  }
0x6e: {  	s10 =	rddreg [dreg:$0x9];
	[sflag:s15] =	ssyncadd.s32 $0xFFFFC000  }
0x6f: {  	[hbm4b:s10+s4] =	stream.linear.scatter [tilespmem:s9], [sflag:$0x6], $0x4000, $0x38;
	[tilespmem:$0x10400] =	vst v63  }
0x70: {  	_ =	swait.ge [sflag:s16], $0x200  }
0x71: {  	[sflag:s16] =	ssyncset.done $0x0  }
0x72: {  	[sflag:s16] =	ssyncadd.s32 $0xFFFFFE00  }
0x73: {  	_ =	swait.ge [sflag:s17], $0x4000  }
0x74: {  	[sflag:s17] =	ssyncset.done $0x0  }
0x75: {  	[sflag:s17] =	ssyncadd.s32 $0xFFFFC000  }
0x76: {  	[tilespmem:s8], [sflag:$0x1] =	stream.indirect.gather [hbm4b:s3+s7], $0x80, s5, s7, $0xb8;
	[tilespmem:$0x10400] =	vst v63  }
0x77: {  	_ =	swait.ge [sflag:s18], $0x4000  }
0x78: {  	[sflag:s18] =	ssyncset.done $0x0  }
0x79: {  	s10 =	rddreg [dreg:$0xa];
	[sflag:s18] =	ssyncadd.s32 $0xFFFFC000  }
0x7a: {  	[hbm4b:s10+s4] =	stream.linear.scatter [tilespmem:s11], [sflag:$0x7], $0x4000, $0x38;
	[tilespmem:$0x10400] =	vst v63  }
0x7b: {  	_ =	swait.ge [sflag:s19], $0x4000  }
0x7c: {  	[sflag:s19] =	ssyncset.done $0x0  }
0x7d: {  	[sflag:s19] =	ssyncadd.s32 $0xFFFFC000  }
0x7e: {  	[tilespmem:s9], [sflag:$0x2] =	stream.indirect.gather [hbm4b:s3+s7], $0x80, s20, s7, $0xb8;
	[tilespmem:$0x10400] =	vst v63  }
0x7f: {  	_ =	swait.ge [sflag:s21], $0x4000  }
0x80: {  	[sflag:s21] =	ssyncset.done $0x0  }
0x81: {  	[sflag:s21] =	ssyncadd.s32 $0xFFFFC000  }
0x82: {  	[hbm4b:s22+s4] =	stream.linear.scatter [tilespmem:s14], [sflag:$0x8], $0x4000, $0x38;
	[tilespmem:$0x10400] =	vst v63  }
0x83: {  	_ =	swait.ge [sflag:s23], $0x4000  }
0x84: {  	[sflag:s23] =	ssyncset.done $0x0  }
0x85: {  	[sflag:s23] =	ssyncadd.s32 $0xFFFFC000  }
0x86: {  	[tilespmem:s11], [sflag:$0x3] =	stream.indirect.gather [hbm4b:s3+s7], $0x80, s24, s7, $0xb8;
	[tilespmem:$0x10400] =	vst v63  }
0x87: {  	_ =	swait.ge [sflag:s12], $0x4000  }
0x88: {  	[sflag:s12] =	ssyncset.done $0x0  }
0x89: {  	[sflag:s12] =	ssyncadd.s32 $0xFFFFC000  }
0x8a: {  	[hbm4b:s25+s4] =	stream.linear.scatter [tilespmem:s8], [sflag:$0x5], $0x4000, $0x38;
	[tilespmem:$0x10400] =	vst v63  }
0x8b: {  	_ =	swait.ge [sflag:s26], $0x4000  }
0x8c: {  	[sflag:s26] =	ssyncset.done $0x0  }
0x8d: {  	[sflag:s26] =	ssyncadd.s32 $0xFFFFC000  }
0x8e: {  	[tilespmem:s14], [sflag:$0x4] =	stream.indirect.gather [hbm4b:s3+s7], $0x80, s28, s7, $0xb8;
	[tilespmem:$0x10400] =	vst v63  }
0x8f: {  	_ =	swait.ge [sflag:s15], $0x4000  }
0x90: {  	[sflag:s15] =	ssyncset.done $0x0  }
0x91: {  	[sflag:s15] =	ssyncadd.s32 $0xFFFFC000  }
0x92: {  	[hbm4b:s29+s4] =	stream.linear.scatter [tilespmem:s9], [sflag:$0x6], $0x4000, $0x38;
	[tilespmem:$0x10400] =	vst v63  }
0x93: {  	_ =	swait.ge [sflag:s18], $0x4000  }
0x94: {  	[sflag:s18] =	ssyncset.done $0x0  }
0x95: {  	[sflag:s18] =	ssyncadd.s32 $0xFFFFC000  }
0x96: {  	[hbm4b:s30+s4] =	stream.linear.scatter [tilespmem:s11], [sflag:$0x7], $0x4000, $0x38;
	[tilespmem:$0x10400] =	vst v63  }
0x97: {  	_ =	swait.ge [sflag:s21], $0x4000  }
0x98: {  	[sflag:s21] =	ssyncset.done $0x0  }
0x99: {  	[sflag:s21] =	ssyncadd.s32 $0xFFFFC000  }
0x9a: {  	[hbm4b:s31+s4] =	stream.linear.scatter [tilespmem:s14], [sflag:$0x8], $0x4000, $0x38;
	[tilespmem:$0x10400] =	vst v63  }
0x9b: {  	_ =	swait.ge [sflag:s17], $0x4000  }
0x9c: {  	[sflag:s17] =	ssyncset.done $0x0  }
0x9d: {  	[sflag:s17] =	ssyncadd.s32 $0xFFFFC000  }
0x9e: {  	_ =	swait.ge [sflag:s19], $0x4000  }
0x9f: {  	p0 =	sne.s32 s1, $0x1;
	[sflag:s19] =	ssyncset.done $0x0  }
.Ltmp1:
0xa0: {  	[sflag:s19] =	ssyncadd.s32 $0xFFFFC000;
	(pc) =	sbr.rel @p0 .LBB2_1-.Ltmp1, $4  }
0xa1: {  	_ =	swait.ge [sflag:s23], $0x4000  }
0xa2: {  	[sflag:s23] =	ssyncset.done $0x0  }
0xa3: {  	[sflag:s23] =	ssyncadd.s32 $0xFFFFC000  }
0xa4: {  	s1 =	sadd.s32 $0xFFFFFFFF, s1;
	_ =	swait.ge [sflag:s26], $0x4000  }
.LBB2_2:
0xa5: {  	[sflag:s26] =	ssyncset.done $0x0  }
0xa6: {  	[sflag:s26] =	ssyncadd.s32 $0xFFFFC000  }
0xa7: {  	_ =	sfence.sel $0x180000  }
0xa8: {  	[bflag:$0x0] =	sbarrier.arrive $0xFFFF  }
0xa9: {  	_ =	strace $0x90000047  }
0xaa: {  	s0 =	stileid.u32;
	[bflag:$0x2] =	sbarrier.arrive $0xFFFF  }
0xab: {  	p0 =	sne.s32 s0, $0x0;
	s0 =	rddreg [dreg:$0x5]  }
0xac: {  	s0 =	sadd.s32 @!p0 $0x100000, s0  }
0xad: {  	[sflag:s0] =	ssyncadd.tile.s32 @!p0 $0x1;
	_ =	shalt  }
.Lfunc_end2:
_tile_overlayer_lowered:
.L_overlay_start_2:
0xae: {  	(tag) =	ssettag $0x2  }
0xaf: {  	s0 =	rddreg [dreg:$0x0];
	s2 =	stileid.u32  }
0xb0: {  	s1 =	rddreg [dreg:$0x1];
	p0 =	sne.s32 s2, $0x0  }
0xb1: {  	s3 =	rddreg [dreg:$0x2];
	[bflag:$0x3] =	sbarrier.arrive $0xFFFF;
	s2 =	simm.s32 @!p0 $0x1C0B  }
0xb2: {  	[timem:s3], [sflag:s2] =	dma.local @!p0 [hbm:s0], s1  }
0xb3: {  	s0 =	simm.s32 @!p0 $0xB  }
0xb4: {  	_ =	swait.ge @!p0 [sflag:s0], s1  }
0xb5: {  	s1 =	ssub.s32 @!p0 $0x0, s1;
	[sflag:s0] =	ssyncset.done @!p0 $0x0  }
0xb6: {  	[sflag:s0] =	ssyncadd.s32 @!p0 s1  }
0xb7: {  	[bflag:$0x3] =	sbarrier.arrive $0xFFFF  }
0xb8: {  	_ =	shalt  }

</sc_bundles>
